<compile_context>
chip_gen: v7x
topology: tpu7x:2x2x1
jax: 0.10.2.dev20260603
libtpu: 0.0.44.dev20260713+nightly
codegen_flags: <defaults>
</compile_context>

<pallas_src>
import functools

import jax
import jax.numpy as jnp
import numpy as np
from jax import lax
from jax.experimental import pallas as pl
from jax.experimental.pallas import tpu as pltpu
from jax.experimental.pallas import tpu_sc as plsc

VOCAB = 1000000
D = 64
DP = 128
BATCH = 4096
SEQ = 200
B_FLAT = BATCH * SEQ

NUM_WORKERS = 32
ROWS_PER_W = B_FLAT // NUM_WORKERS
CHUNK = 400
N_CHUNKS = ROWS_PER_W // CHUNK
GSLICE = 80
N_GS = CHUNK // GSLICE
LANES = 16


def _sinusoidal_pe_np(max_len, d_model):
    pos = np.arange(max_len, dtype=np.float32)[:, None]
    div = np.exp(np.arange(0, d_model, 2, dtype=np.float32) * (-np.log(10000.0) / d_model))
    pe = np.zeros((max_len, d_model), dtype=np.float32)
    pe[:, 0::2] = np.sin(pos * div)
    pe[:, 1::2] = np.cos(pos * div)
    return pe


_PE = _sinusoidal_pe_np(SEQ, D)


def _emb_body(table_hbm, idx_hbm, pe_hbm, out_hbm, idx_v, rows_v, pe_v, sem0, sem1):
    wid = lax.axis_index("s") * 2 + lax.axis_index("c")
    base = wid * ROWS_PER_W
    sems = (sem0, sem1)

    pltpu.sync_copy(pe_hbm, pe_v)

    def fire(buf, row0):
        pltpu.sync_copy(idx_hbm.at[pl.ds(row0, CHUNK)], idx_v.at[buf])
        for s in range(N_GS):
            pltpu.async_copy(
                table_hbm.at[idx_v.at[buf].at[pl.ds(s * GSLICE, GSLICE)]],
                rows_v.at[buf].at[pl.ds(s * GSLICE, GSLICE)],
                sems[buf],
            )

    def drain(buf):
        for s in range(N_GS):
            pltpu.make_async_copy(
                table_hbm.at[idx_v.at[buf].at[pl.ds(s * GSLICE, GSLICE)]],
                rows_v.at[buf].at[pl.ds(s * GSLICE, GSLICE)],
                sems[buf],
            ).wait()

    def finish(buf, row0):
        def pe_row(r, _):
            for col in range(D // LANES):
                pvec = pe_v[r, pl.ds(col * LANES, LANES)]
                for rep in range(CHUNK // SEQ):
                    plsc.addupdate(
                        rows_v.at[buf, rep * SEQ + r, pl.ds(col * LANES, LANES)],
                        pvec,
                    )
            return 0

        lax.fori_loop(0, SEQ, pe_row, 0)
        pltpu.sync_copy(
            rows_v.at[buf],
            out_hbm.at[pl.ds(row0, CHUNK)].at[:, pl.ds(0, D)],
        )

    fire(0, base)

    def pair(i, _):
        a = base + (2 * i) * CHUNK
        fire(1, a + CHUNK)
        drain(0)
        finish(0, a)
        fire(0, a + 2 * CHUNK)
        drain(1)
        finish(1, a + CHUNK)
        return 0

    lax.fori_loop(0, N_CHUNKS // 2 - 1, pair, 0)
    a = base + (N_CHUNKS - 2) * CHUNK
    fire(1, a + CHUNK)
    drain(0)
    finish(0, a)
    drain(1)
    finish(1, a + CHUNK)


_mesh = plsc.VectorSubcoreMesh(core_axis_name="c", subcore_axis_name="s")

_emb = functools.partial(
    pl.kernel,
    mesh=_mesh,
    out_type=jax.ShapeDtypeStruct((B_FLAT, DP), jnp.float32),
    compiler_params=pltpu.CompilerParams(use_tc_tiling_on_sc=False),
    scratch_types=[
        pltpu.VMEM((2, CHUNK), jnp.int32),
        pltpu.VMEM((2, CHUNK, D), jnp.float32),
        pltpu.VMEM((SEQ, D), jnp.float32),
        pltpu.SemaphoreType.DMA,
        pltpu.SemaphoreType.DMA,
    ],
)(_emb_body)


def kernel(input, table):
    idx = input.reshape(B_FLAT).astype(jnp.int32)
    out = _emb(table, idx, jnp.asarray(_PE))
    return out[:, :D].reshape(BATCH, SEQ, D)

# --- scband reference (transcript-rebuilt; emitter-appended) ---
"""Pipeline reference for scband-input-embedding-15753940041999 (READ-ONLY COPY).

The authoritative reference and input builder live on the scoring server;
editing this copy changes nothing except your own understanding.
"""

import jax, jax.numpy as jnp
import numpy as np

VOCAB_SIZE = 1000000
EMBED_DIM = 64
BATCH = 4096
SEQ_LEN = 200


def _sinusoidal_pe(max_len, d_model):
    pos = np.arange(max_len, dtype=np.float32)[:, None]
    div = np.exp(np.arange(0, d_model, 2, dtype=np.float32) * (-np.log(10000.0) / d_model))
    pe = np.zeros((max_len, d_model), dtype=np.float32)
    pe[:, 0::2] = np.sin(pos * div)
    pe[:, 1::2] = np.cos(pos * div)
    return jnp.asarray(pe)


def setup_inputs(seed: int = 0) -> dict:
    key = jax.random.key(seed)
    k_idx, k_tab = jax.random.split(key)
    input_ids = jax.random.randint(k_idx, (BATCH, SEQ_LEN), 0, VOCAB_SIZE, dtype=jnp.int64 if jax.config.jax_enable_x64 else jnp.int32)
    table = jax.random.normal(k_tab, (VOCAB_SIZE, EMBED_DIM), dtype=jnp.float32)
    return {"input": input_ids, "table": table}


def reference(input, table):
    # Embedding lookup: gather rows of the table
    embeddings = jnp.take(table, input, axis=0)  # [B, S, D]
    # Positional encoding: add sinusoidal PE (dropout p=0 / eval mode)
    seq_len = embeddings.shape[1]
    pe = _sinusoidal_pe(seq_len, embeddings.shape[-1])
    return embeddings + pe[None, :, :]

if __name__ == "__main__":
    import jax
    _d = setup_inputs()
    print(jax.jit(kernel)(*tuple(_d.values())))

</pallas_src>

<mosaic_0001>
#map = affine_map<(d0, d1) -> (0, 0)>
#map1 = affine_map<(d0, d1) -> (0)>
module attributes {stable_mosaic.version = 14 : i64} {
  func.func @_emb_body(%arg0: i32, %arg1: i32, %arg2: memref<1000000x64xf32, #tpu.memory_space<hbm>>, %arg3: memref<819200xi32, #tpu.memory_space<hbm>>, %arg4: memref<200x64xf32, #tpu.memory_space<hbm>>, %arg5: memref<819200x128xf32, #tpu.memory_space<hbm>>, %arg6: memref<2x400xi32, #tpu.memory_space<vmem>>, %arg7: memref<2x400x64xf32, #tpu.memory_space<vmem>>, %arg8: memref<200x64xf32, #tpu.memory_space<vmem>>, %arg9: memref<!tpu.dma_semaphore, #tpu.memory_space<semaphore_mem>>, %arg10: memref<!tpu.dma_semaphore, #tpu.memory_space<semaphore_mem>>) attributes {dimension_semantics = [#tpu.dimension_semantics<core_parallel>, #tpu.dimension_semantics<subcore_parallel>], iteration_bounds = array<i64: 2, 16>, scalar_prefetch = 0 : i64, scratch_operands = 5 : i64, tpu.core_type = #tpu.core_type<sc_vector_subcore>, window_params = [{transform_indices = #map}, {transform_indices = #map1}, {transform_indices = #map}, {transform_indices = #map}]} {
    %mul3A = arith.constant 2 : i32
    %mul3A_0 = arith.muli %arg1, %mul3A : i32
    %add3A = arith.addi %mul3A_0, %arg0 : i32
    %mul3A_1 = arith.constant 25600 : i32
    %mul3A_2 = arith.muli %add3A, %mul3A_1 : i32
    "tpu.region"() ({
      %run_scoped3A_370 = tpu.sem_alloc : memref<!tpu.dma_semaphore, #tpu.memory_space<semaphore_mem>>
      tpu.enqueue_dma source(%arg4 : memref<200x64xf32, #tpu.memory_space<hbm>>) target(%arg8 : memref<200x64xf32, #tpu.memory_space<vmem>>) target_semaphore(%run_scoped3A_370 : memref<!tpu.dma_semaphore, #tpu.memory_space<semaphore_mem>>)
      tpu.wait_dma2 semaphore(%run_scoped3A_370 : memref<!tpu.dma_semaphore, #tpu.memory_space<semaphore_mem>>) src(%arg4 : memref<200x64xf32, #tpu.memory_space<hbm>>) dst(%arg8 : memref<200x64xf32, #tpu.memory_space<vmem>>)
      tpu.yield
    }) : () -> ()
    %run_scoped3A = arith.constant 0 : i32
    "tpu.region"() ({
      %run_scoped3A_370 = tpu.sem_alloc : memref<!tpu.dma_semaphore, #tpu.memory_space<semaphore_mem>>
      %dma_start3A_371 = arith.constant 0 : i32
      %dma_start3A_372 = tpu.memref_slice %arg6[%run_scoped3A, %dma_start3A_371] : memref<2x400xi32, #tpu.memory_space<vmem>> -> memref<1x400xi32, #tpu.memory_space<vmem>>
      %dma_start3A_373 = tpu.memref_squeeze %dma_start3A_372 : memref<1x400xi32, #tpu.memory_space<vmem>> -> memref<400xi32, #tpu.memory_space<vmem>>
      %dma_start3A_374 = tpu.memref_slice %arg3[%mul3A_2] : memref<819200xi32, #tpu.memory_space<hbm>> -> memref<400xi32, #tpu.memory_space<hbm>>
      %dma_start3A_375 = arith.constant 0 : i32
      %dma_start3A_376 = tpu.memref_slice %arg6[%run_scoped3A, %dma_start3A_375] : memref<2x400xi32, #tpu.memory_space<vmem>> -> memref<1x400xi32, #tpu.memory_space<vmem>>
      %dma_start3A_377 = tpu.memref_squeeze %dma_start3A_376 : memref<1x400xi32, #tpu.memory_space<vmem>> -> memref<400xi32, #tpu.memory_space<vmem>>
      %dma_start3A_378 = tpu.memref_slice %arg3[%mul3A_2] : memref<819200xi32, #tpu.memory_space<hbm>> -> memref<400xi32, #tpu.memory_space<hbm>>
      tpu.enqueue_dma source(%dma_start3A_378 : memref<400xi32, #tpu.memory_space<hbm>>) target(%dma_start3A_377 : memref<400xi32, #tpu.memory_space<vmem>>) target_semaphore(%run_scoped3A_370 : memref<!tpu.dma_semaphore, #tpu.memory_space<semaphore_mem>>)
      %dma_wait3A_379 = arith.constant 0 : i32
      %dma_wait3A_380 = tpu.memref_slice %arg6[%run_scoped3A, %dma_wait3A_379] : memref<2x400xi32, #tpu.memory_space<vmem>> -> memref<1x400xi32, #tpu.memory_space<vmem>>
      %dma_wait3A_381 = tpu.memref_squeeze %dma_wait3A_380 : memref<1x400xi32, #tpu.memory_space<vmem>> -> memref<400xi32, #tpu.memory_space<vmem>>
      %dma_wait3A_382 = tpu.memref_slice %arg3[%mul3A_2] : memref<819200xi32, #tpu.memory_space<hbm>> -> memref<400xi32, #tpu.memory_space<hbm>>
      %dma_wait3A_383 = arith.constant 0 : i32
      %dma_wait3A_384 = tpu.memref_slice %arg6[%run_scoped3A, %dma_wait3A_383] : memref<2x400xi32, #tpu.memory_space<vmem>> -> memref<1x400xi32, #tpu.memory_space<vmem>>
      %dma_wait3A_385 = tpu.memref_squeeze %dma_wait3A_384 : memref<1x400xi32, #tpu.memory_space<vmem>> -> memref<400xi32, #tpu.memory_space<vmem>>
      %dma_wait3A_386 = tpu.memref_slice %arg3[%mul3A_2] : memref<819200xi32, #tpu.memory_space<hbm>> -> memref<400xi32, #tpu.memory_space<hbm>>
      tpu.wait_dma2 semaphore(%run_scoped3A_370 : memref<!tpu.dma_semaphore, #tpu.memory_space<semaphore_mem>>) src(%dma_wait3A_386 : memref<400xi32, #tpu.memory_space<hbm>>) dst(%dma_wait3A_385 : memref<400xi32, #tpu.memory_space<vmem>>)
      tpu.yield
    }) : () -> ()
    %dma_start3A = arith.constant 0 : i32
    %dma_start3A_3 = arith.constant 0 : i32
    %dma_start3A_4 = arith.constant 0 : i32
    %dma_start3A_5 = arith.constant 0 : i32
    %dma_start3A_6 = tpu.memref_slice %arg7[%dma_start3A_3, %dma_start3A_4, %dma_start3A_5] : memref<2x400x64xf32, #tpu.memory_space<vmem>> -> memref<1x400x64xf32, #tpu.memory_space<vmem>>
    %dma_start3A_7 = tpu.memref_squeeze %dma_start3A_6 : memref<1x400x64xf32, #tpu.memory_space<vmem>> -> memref<400x64xf32, #tpu.memory_space<vmem>>
    %dma_start3A_8 = arith.constant 0 : i32
    %dma_start3A_9 = arith.constant 0 : i32
    %dma_start3A_10 = tpu.memref_slice %dma_start3A_7[%dma_start3A_8, %dma_start3A_9] : memref<400x64xf32, #tpu.memory_space<vmem>> -> memref<80x64xf32, #tpu.memory_space<vmem>>
    %dma_start3A_11 = arith.constant 0 : i32
    %dma_start3A_12 = tpu.memref_slice %arg6[%dma_start3A, %dma_start3A_11] : memref<2x400xi32, #tpu.memory_space<vmem>> -> memref<1x400xi32, #tpu.memory_space<vmem>>
    %dma_start3A_13 = tpu.memref_squeeze %dma_start3A_12 : memref<1x400xi32, #tpu.memory_space<vmem>> -> memref<400xi32, #tpu.memory_space<vmem>>
    %dma_start3A_14 = arith.constant 0 : i32
    %dma_start3A_15 = tpu.memref_slice %dma_start3A_13[%dma_start3A_14] : memref<400xi32, #tpu.memory_space<vmem>> -> memref<80xi32, #tpu.memory_space<vmem>>
    %dma_start3A_16 = arith.constant 0 : i32
    %dma_start3A_17 = arith.constant 0 : i32
    %dma_start3A_18 = tpu.memref_slice %arg2[%dma_start3A_16, %dma_start3A_17] : memref<1000000x64xf32, #tpu.memory_space<hbm>> -> memref<1000000x64xf32, #tpu.memory_space<hbm>>
    tpu.enqueue_indirect_dma source(%dma_start3A_18 : memref<1000000x64xf32, #tpu.memory_space<hbm>>) target(%dma_start3A_10 : memref<80x64xf32, #tpu.memory_space<vmem>>) offsets(%dma_start3A_15 : memref<80xi32, #tpu.memory_space<vmem>>) semaphore(%arg9 : memref<!tpu.dma_semaphore, #tpu.memory_space<semaphore_mem>>)
    %dma_start3A_19 = arith.constant 0 : i32
    %dma_start3A_20 = arith.constant 0 : i32
    %dma_start3A_21 = arith.constant 0 : i32
    %dma_start3A_22 = arith.constant 0 : i32
    %dma_start3A_23 = tpu.memref_slice %arg7[%dma_start3A_20, %dma_start3A_21, %dma_start3A_22] : memref<2x400x64xf32, #tpu.memory_space<vmem>> -> memref<1x400x64xf32, #tpu.memory_space<vmem>>
    %dma_start3A_24 = tpu.memref_squeeze %dma_start3A_23 : memref<1x400x64xf32, #tpu.memory_space<vmem>> -> memref<400x64xf32, #tpu.memory_space<vmem>>
    %dma_start3A_25 = arith.constant 80 : i32
    %dma_start3A_26 = arith.constant 0 : i32
    %dma_start3A_27 = tpu.memref_slice %dma_start3A_24[%dma_start3A_25, %dma_start3A_26] : memref<400x64xf32, #tpu.memory_space<vmem>> -> memref<80x64xf32, #tpu.memory_space<vmem>>
    %dma_start3A_28 = arith.constant 0 : i32
    %dma_start3A_29 = tpu.memref_slice %arg6[%dma_start3A_19, %dma_start3A_28] : memref<2x400xi32, #tpu.memory_space<vmem>> -> memref<1x400xi32, #tpu.memory_space<vmem>>
    %dma_start3A_30 = tpu.memref_squeeze %dma_start3A_29 : memref<1x400xi32, #tpu.memory_space<vmem>> -> memref<400xi32, #tpu.memory_space<vmem>>
    %dma_start3A_31 = arith.constant 80 : i32
    %dma_start3A_32 = tpu.memref_slice %dma_start3A_30[%dma_start3A_31] : memref<400xi32, #tpu.memory_space<vmem>> -> memref<80xi32, #tpu.memory_space<vmem>>
    %dma_start3A_33 = arith.constant 0 : i32
    %dma_start3A_34 = arith.constant 0 : i32
    %dma_start3A_35 = tpu.memref_slice %arg2[%dma_start3A_33, %dma_start3A_34] : memref<1000000x64xf32, #tpu.memory_space<hbm>> -> memref<1000000x64xf32, #tpu.memory_space<hbm>>
    tpu.enqueue_indirect_dma source(%dma_start3A_35 : memref<1000000x64xf32, #tpu.memory_space<hbm>>) target(%dma_start3A_27 : memref<80x64xf32, #tpu.memory_space<vmem>>) offsets(%dma_start3A_32 : memref<80xi32, #tpu.memory_space<vmem>>) semaphore(%arg9 : memref<!tpu.dma_semaphore, #tpu.memory_space<semaphore_mem>>)
    %dma_start3A_36 = arith.constant 0 : i32
    %dma_start3A_37 = arith.constant 0 : i32
    %dma_start3A_38 = arith.constant 0 : i32
    %dma_start3A_39 = arith.constant 0 : i32
    %dma_start3A_40 = tpu.memref_slice %arg7[%dma_start3A_37, %dma_start3A_38, %dma_start3A_39] : memref<2x400x64xf32, #tpu.memory_space<vmem>> -> memref<1x400x64xf32, #tpu.memory_space<vmem>>
    %dma_start3A_41 = tpu.memref_squeeze %dma_start3A_40 : memref<1x400x64xf32, #tpu.memory_space<vmem>> -> memref<400x64xf32, #tpu.memory_space<vmem>>
    %dma_start3A_42 = arith.constant 160 : i32
    %dma_start3A_43 = arith.constant 0 : i32
    %dma_start3A_44 = tpu.memref_slice %dma_start3A_41[%dma_start3A_42, %dma_start3A_43] : memref<400x64xf32, #tpu.memory_space<vmem>> -> memref<80x64xf32, #tpu.memory_space<vmem>>
    %dma_start3A_45 = arith.constant 0 : i32
    %dma_start3A_46 = tpu.memref_slice %arg6[%dma_start3A_36, %dma_start3A_45] : memref<2x400xi32, #tpu.memory_space<vmem>> -> memref<1x400xi32, #tpu.memory_space<vmem>>
    %dma_start3A_47 = tpu.memref_squeeze %dma_start3A_46 : memref<1x400xi32, #tpu.memory_space<vmem>> -> memref<400xi32, #tpu.memory_space<vmem>>
    %dma_start3A_48 = arith.constant 160 : i32
    %dma_start3A_49 = tpu.memref_slice %dma_start3A_47[%dma_start3A_48] : memref<400xi32, #tpu.memory_space<vmem>> -> memref<80xi32, #tpu.memory_space<vmem>>
    %dma_start3A_50 = arith.constant 0 : i32
    %dma_start3A_51 = arith.constant 0 : i32
    %dma_start3A_52 = tpu.memref_slice %arg2[%dma_start3A_50, %dma_start3A_51] : memref<1000000x64xf32, #tpu.memory_space<hbm>> -> memref<1000000x64xf32, #tpu.memory_space<hbm>>
    tpu.enqueue_indirect_dma source(%dma_start3A_52 : memref<1000000x64xf32, #tpu.memory_space<hbm>>) target(%dma_start3A_44 : memref<80x64xf32, #tpu.memory_space<vmem>>) offsets(%dma_start3A_49 : memref<80xi32, #tpu.memory_space<vmem>>) semaphore(%arg9 : memref<!tpu.dma_semaphore, #tpu.memory_space<semaphore_mem>>)
    %dma_start3A_53 = arith.constant 0 : i32
    %dma_start3A_54 = arith.constant 0 : i32
    %dma_start3A_55 = arith.constant 0 : i32
    %dma_start3A_56 = arith.constant 0 : i32
    %dma_start3A_57 = tpu.memref_slice %arg7[%dma_start3A_54, %dma_start3A_55, %dma_start3A_56] : memref<2x400x64xf32, #tpu.memory_space<vmem>> -> memref<1x400x64xf32, #tpu.memory_space<vmem>>
    %dma_start3A_58 = tpu.memref_squeeze %dma_start3A_57 : memref<1x400x64xf32, #tpu.memory_space<vmem>> -> memref<400x64xf32, #tpu.memory_space<vmem>>
    %dma_start3A_59 = arith.constant 240 : i32
    %dma_start3A_60 = arith.constant 0 : i32
    %dma_start3A_61 = tpu.memref_slice %dma_start3A_58[%dma_start3A_59, %dma_start3A_60] : memref<400x64xf32, #tpu.memory_space<vmem>> -> memref<80x64xf32, #tpu.memory_space<vmem>>
    %dma_start3A_62 = arith.constant 0 : i32
    %dma_start3A_63 = tpu.memref_slice %arg6[%dma_start3A_53, %dma_start3A_62] : memref<2x400xi32, #tpu.memory_space<vmem>> -> memref<1x400xi32, #tpu.memory_space<vmem>>
    %dma_start3A_64 = tpu.memref_squeeze %dma_start3A_63 : memref<1x400xi32, #tpu.memory_space<vmem>> -> memref<400xi32, #tpu.memory_space<vmem>>
    %dma_start3A_65 = arith.constant 240 : i32
    %dma_start3A_66 = tpu.memref_slice %dma_start3A_64[%dma_start3A_65] : memref<400xi32, #tpu.memory_space<vmem>> -> memref<80xi32, #tpu.memory_space<vmem>>
    %dma_start3A_67 = arith.constant 0 : i32
    %dma_start3A_68 = arith.constant 0 : i32
    %dma_start3A_69 = tpu.memref_slice %arg2[%dma_start3A_67, %dma_start3A_68] : memref<1000000x64xf32, #tpu.memory_space<hbm>> -> memref<1000000x64xf32, #tpu.memory_space<hbm>>
    tpu.enqueue_indirect_dma source(%dma_start3A_69 : memref<1000000x64xf32, #tpu.memory_space<hbm>>) target(%dma_start3A_61 : memref<80x64xf32, #tpu.memory_space<vmem>>) offsets(%dma_start3A_66 : memref<80xi32, #tpu.memory_space<vmem>>) semaphore(%arg9 : memref<!tpu.dma_semaphore, #tpu.memory_space<semaphore_mem>>)
    %dma_start3A_70 = arith.constant 0 : i32
    %dma_start3A_71 = arith.constant 0 : i32
    %dma_start3A_72 = arith.constant 0 : i32
    %dma_start3A_73 = arith.constant 0 : i32
    %dma_start3A_74 = tpu.memref_slice %arg7[%dma_start3A_71, %dma_start3A_72, %dma_start3A_73] : memref<2x400x64xf32, #tpu.memory_space<vmem>> -> memref<1x400x64xf32, #tpu.memory_space<vmem>>
    %dma_start3A_75 = tpu.memref_squeeze %dma_start3A_74 : memref<1x400x64xf32, #tpu.memory_space<vmem>> -> memref<400x64xf32, #tpu.memory_space<vmem>>
    %dma_start3A_76 = arith.constant 320 : i32
    %dma_start3A_77 = arith.constant 0 : i32
    %dma_start3A_78 = tpu.memref_slice %dma_start3A_75[%dma_start3A_76, %dma_start3A_77] : memref<400x64xf32, #tpu.memory_space<vmem>> -> memref<80x64xf32, #tpu.memory_space<vmem>>
    %dma_start3A_79 = arith.constant 0 : i32
    %dma_start3A_80 = tpu.memref_slice %arg6[%dma_start3A_70, %dma_start3A_79] : memref<2x400xi32, #tpu.memory_space<vmem>> -> memref<1x400xi32, #tpu.memory_space<vmem>>
    %dma_start3A_81 = tpu.memref_squeeze %dma_start3A_80 : memref<1x400xi32, #tpu.memory_space<vmem>> -> memref<400xi32, #tpu.memory_space<vmem>>
    %dma_start3A_82 = arith.constant 320 : i32
    %dma_start3A_83 = tpu.memref_slice %dma_start3A_81[%dma_start3A_82] : memref<400xi32, #tpu.memory_space<vmem>> -> memref<80xi32, #tpu.memory_space<vmem>>
    %dma_start3A_84 = arith.constant 0 : i32
    %dma_start3A_85 = arith.constant 0 : i32
    %dma_start3A_86 = tpu.memref_slice %arg2[%dma_start3A_84, %dma_start3A_85] : memref<1000000x64xf32, #tpu.memory_space<hbm>> -> memref<1000000x64xf32, #tpu.memory_space<hbm>>
    tpu.enqueue_indirect_dma source(%dma_start3A_86 : memref<1000000x64xf32, #tpu.memory_space<hbm>>) target(%dma_start3A_78 : memref<80x64xf32, #tpu.memory_space<vmem>>) offsets(%dma_start3A_83 : memref<80xi32, #tpu.memory_space<vmem>>) semaphore(%arg9 : memref<!tpu.dma_semaphore, #tpu.memory_space<semaphore_mem>>)
    %scan3A = arith.constant 0 : i32
    %scan3A_87 = arith.constant 0 : i32
    %scan3A_88 = arith.constant 31 : i32
    %scan3A_89 = arith.addi %scan3A_87, %scan3A_88 : i32
    %scan3A_90 = arith.constant 1 : i32
    %scan3A_91 = scf.for %scan3A_370 = %scan3A_87 to %scan3A_89 step %scan3A_90 iter_args(%scan3A_371 = %scan3A) -> (i32)  : i32 {
      %mul3A_372 = arith.constant 2 : i32
      %mul3A_373 = arith.muli %mul3A_372, %scan3A_370 : i32
      %mul3A_374 = arith.constant 400 : i32
      %mul3A_375 = arith.muli %mul3A_373, %mul3A_374 : i32
      %add3A_376 = arith.addi %mul3A_2, %mul3A_375 : i32
      %add3A_377 = arith.constant 400 : i32
      %add3A_378 = arith.addi %add3A_376, %add3A_377 : i32
      %run_scoped3A_379 = arith.constant 1 : i32
      "tpu.region"() ({
        %run_scoped3A_742 = tpu.sem_alloc : memref<!tpu.dma_semaphore, #tpu.memory_space<semaphore_mem>>
        %dma_start3A_743 = arith.constant 0 : i32
        %dma_start3A_744 = tpu.memref_slice %arg6[%run_scoped3A_379, %dma_start3A_743] : memref<2x400xi32, #tpu.memory_space<vmem>> -> memref<1x400xi32, #tpu.memory_space<vmem>>
        %dma_start3A_745 = tpu.memref_squeeze %dma_start3A_744 : memref<1x400xi32, #tpu.memory_space<vmem>> -> memref<400xi32, #tpu.memory_space<vmem>>
        %dma_start3A_746 = tpu.memref_slice %arg3[%add3A_378] : memref<819200xi32, #tpu.memory_space<hbm>> -> memref<400xi32, #tpu.memory_space<hbm>>
        %dma_start3A_747 = arith.constant 0 : i32
        %dma_start3A_748 = tpu.memref_slice %arg6[%run_scoped3A_379, %dma_start3A_747] : memref<2x400xi32, #tpu.memory_space<vmem>> -> memref<1x400xi32, #tpu.memory_space<vmem>>
        %dma_start3A_749 = tpu.memref_squeeze %dma_start3A_748 : memref<1x400xi32, #tpu.memory_space<vmem>> -> memref<400xi32, #tpu.memory_space<vmem>>
        %dma_start3A_750 = tpu.memref_slice %arg3[%add3A_378] : memref<819200xi32, #tpu.memory_space<hbm>> -> memref<400xi32, #tpu.memory_space<hbm>>
        tpu.enqueue_dma source(%dma_start3A_750 : memref<400xi32, #tpu.memory_space<hbm>>) target(%dma_start3A_749 : memref<400xi32, #tpu.memory_space<vmem>>) target_semaphore(%run_scoped3A_742 : memref<!tpu.dma_semaphore, #tpu.memory_space<semaphore_mem>>)
        %dma_wait3A_751 = arith.constant 0 : i32
        %dma_wait3A_752 = tpu.memref_slice %arg6[%run_scoped3A_379, %dma_wait3A_751] : memref<2x400xi32, #tpu.memory_space<vmem>> -> memref<1x400xi32, #tpu.memory_space<vmem>>
        %dma_wait3A_753 = tpu.memref_squeeze %dma_wait3A_752 : memref<1x400xi32, #tpu.memory_space<vmem>> -> memref<400xi32, #tpu.memory_space<vmem>>
        %dma_wait3A_754 = tpu.memref_slice %arg3[%add3A_378] : memref<819200xi32, #tpu.memory_space<hbm>> -> memref<400xi32, #tpu.memory_space<hbm>>
        %dma_wait3A_755 = arith.constant 0 : i32
        %dma_wait3A_756 = tpu.memref_slice %arg6[%run_scoped3A_379, %dma_wait3A_755] : memref<2x400xi32, #tpu.memory_space<vmem>> -> memref<1x400xi32, #tpu.memory_space<vmem>>
        %dma_wait3A_757 = tpu.memref_squeeze %dma_wait3A_756 : memref<1x400xi32, #tpu.memory_space<vmem>> -> memref<400xi32, #tpu.memory_space<vmem>>
        %dma_wait3A_758 = tpu.memref_slice %arg3[%add3A_378] : memref<819200xi32, #tpu.memory_space<hbm>> -> memref<400xi32, #tpu.memory_space<hbm>>
        tpu.wait_dma2 semaphore(%run_scoped3A_742 : memref<!tpu.dma_semaphore, #tpu.memory_space<semaphore_mem>>) src(%dma_wait3A_758 : memref<400xi32, #tpu.memory_space<hbm>>) dst(%dma_wait3A_757 : memref<400xi32, #tpu.memory_space<vmem>>)
        tpu.yield
      }) : () -> ()
      %dma_start3A_380 = arith.constant 1 : i32
      %dma_start3A_381 = arith.constant 1 : i32
      %dma_start3A_382 = arith.constant 0 : i32
      %dma_start3A_383 = arith.constant 0 : i32
      %dma_start3A_384 = tpu.memref_slice %arg7[%dma_start3A_381, %dma_start3A_382, %dma_start3A_383] : memref<2x400x64xf32, #tpu.memory_space<vmem>> -> memref<1x400x64xf32, #tpu.memory_space<vmem>>
      %dma_start3A_385 = tpu.memref_squeeze %dma_start3A_384 : memref<1x400x64xf32, #tpu.memory_space<vmem>> -> memref<400x64xf32, #tpu.memory_space<vmem>>
      %dma_start3A_386 = arith.constant 0 : i32
      %dma_start3A_387 = arith.constant 0 : i32
      %dma_start3A_388 = tpu.memref_slice %dma_start3A_385[%dma_start3A_386, %dma_start3A_387] : memref<400x64xf32, #tpu.memory_space<vmem>> -> memref<80x64xf32, #tpu.memory_space<vmem>>
      %dma_start3A_389 = arith.constant 0 : i32
      %dma_start3A_390 = tpu.memref_slice %arg6[%dma_start3A_380, %dma_start3A_389] : memref<2x400xi32, #tpu.memory_space<vmem>> -> memref<1x400xi32, #tpu.memory_space<vmem>>
      %dma_start3A_391 = tpu.memref_squeeze %dma_start3A_390 : memref<1x400xi32, #tpu.memory_space<vmem>> -> memref<400xi32, #tpu.memory_space<vmem>>
      %dma_start3A_392 = arith.constant 0 : i32
      %dma_start3A_393 = tpu.memref_slice %dma_start3A_391[%dma_start3A_392] : memref<400xi32, #tpu.memory_space<vmem>> -> memref<80xi32, #tpu.memory_space<vmem>>
      %dma_start3A_394 = arith.constant 0 : i32
      %dma_start3A_395 = arith.constant 0 : i32
      %dma_start3A_396 = tpu.memref_slice %arg2[%dma_start3A_394, %dma_start3A_395] : memref<1000000x64xf32, #tpu.memory_space<hbm>> -> memref<1000000x64xf32, #tpu.memory_space<hbm>>
      tpu.enqueue_indirect_dma source(%dma_start3A_396 : memref<1000000x64xf32, #tpu.memory_space<hbm>>) target(%dma_start3A_388 : memref<80x64xf32, #tpu.memory_space<vmem>>) offsets(%dma_start3A_393 : memref<80xi32, #tpu.memory_space<vmem>>) semaphore(%arg10 : memref<!tpu.dma_semaphore, #tpu.memory_space<semaphore_mem>>)
      %dma_start3A_397 = arith.constant 1 : i32
      %dma_start3A_398 = arith.constant 1 : i32
      %dma_start3A_399 = arith.constant 0 : i32
      %dma_start3A_400 = arith.constant 0 : i32
      %dma_start3A_401 = tpu.memref_slice %arg7[%dma_start3A_398, %dma_start3A_399, %dma_start3A_400] : memref<2x400x64xf32, #tpu.memory_space<vmem>> -> memref<1x400x64xf32, #tpu.memory_space<vmem>>
      %dma_start3A_402 = tpu.memref_squeeze %dma_start3A_401 : memref<1x400x64xf32, #tpu.memory_space<vmem>> -> memref<400x64xf32, #tpu.memory_space<vmem>>
      %dma_start3A_403 = arith.constant 80 : i32
      %dma_start3A_404 = arith.constant 0 : i32
      %dma_start3A_405 = tpu.memref_slice %dma_start3A_402[%dma_start3A_403, %dma_start3A_404] : memref<400x64xf32, #tpu.memory_space<vmem>> -> memref<80x64xf32, #tpu.memory_space<vmem>>
      %dma_start3A_406 = arith.constant 0 : i32
      %dma_start3A_407 = tpu.memref_slice %arg6[%dma_start3A_397, %dma_start3A_406] : memref<2x400xi32, #tpu.memory_space<vmem>> -> memref<1x400xi32, #tpu.memory_space<vmem>>
      %dma_start3A_408 = tpu.memref_squeeze %dma_start3A_407 : memref<1x400xi32, #tpu.memory_space<vmem>> -> memref<400xi32, #tpu.memory_space<vmem>>
      %dma_start3A_409 = arith.constant 80 : i32
      %dma_start3A_410 = tpu.memref_slice %dma_start3A_408[%dma_start3A_409] : memref<400xi32, #tpu.memory_space<vmem>> -> memref<80xi32, #tpu.memory_space<vmem>>
      %dma_start3A_411 = arith.constant 0 : i32
      %dma_start3A_412 = arith.constant 0 : i32
      %dma_start3A_413 = tpu.memref_slice %arg2[%dma_start3A_411, %dma_start3A_412] : memref<1000000x64xf32, #tpu.memory_space<hbm>> -> memref<1000000x64xf32, #tpu.memory_space<hbm>>
      tpu.enqueue_indirect_dma source(%dma_start3A_413 : memref<1000000x64xf32, #tpu.memory_space<hbm>>) target(%dma_start3A_405 : memref<80x64xf32, #tpu.memory_space<vmem>>) offsets(%dma_start3A_410 : memref<80xi32, #tpu.memory_space<vmem>>) semaphore(%arg10 : memref<!tpu.dma_semaphore, #tpu.memory_space<semaphore_mem>>)
      %dma_start3A_414 = arith.constant 1 : i32
      %dma_start3A_415 = arith.constant 1 : i32
      %dma_start3A_416 = arith.constant 0 : i32
      %dma_start3A_417 = arith.constant 0 : i32
      %dma_start3A_418 = tpu.memref_slice %arg7[%dma_start3A_415, %dma_start3A_416, %dma_start3A_417] : memref<2x400x64xf32, #tpu.memory_space<vmem>> -> memref<1x400x64xf32, #tpu.memory_space<vmem>>
      %dma_start3A_419 = tpu.memref_squeeze %dma_start3A_418 : memref<1x400x64xf32, #tpu.memory_space<vmem>> -> memref<400x64xf32, #tpu.memory_space<vmem>>
      %dma_start3A_420 = arith.constant 160 : i32
      %dma_start3A_421 = arith.constant 0 : i32
      %dma_start3A_422 = tpu.memref_slice %dma_start3A_419[%dma_start3A_420, %dma_start3A_421] : memref<400x64xf32, #tpu.memory_space<vmem>> -> memref<80x64xf32, #tpu.memory_space<vmem>>
      %dma_start3A_423 = arith.constant 0 : i32
      %dma_start3A_424 = tpu.memref_slice %arg6[%dma_start3A_414, %dma_start3A_423] : memref<2x400xi32, #tpu.memory_space<vmem>> -> memref<1x400xi32, #tpu.memory_space<vmem>>
      %dma_start3A_425 = tpu.memref_squeeze %dma_start3A_424 : memref<1x400xi32, #tpu.memory_space<vmem>> -> memref<400xi32, #tpu.memory_space<vmem>>
      %dma_start3A_426 = arith.constant 160 : i32
      %dma_start3A_427 = tpu.memref_slice %dma_start3A_425[%dma_start3A_426] : memref<400xi32, #tpu.memory_space<vmem>> -> memref<80xi32, #tpu.memory_space<vmem>>
      %dma_start3A_428 = arith.constant 0 : i32
      %dma_start3A_429 = arith.constant 0 : i32
      %dma_start3A_430 = tpu.memref_slice %arg2[%dma_start3A_428, %dma_start3A_429] : memref<1000000x64xf32, #tpu.memory_space<hbm>> -> memref<1000000x64xf32, #tpu.memory_space<hbm>>
      tpu.enqueue_indirect_dma source(%dma_start3A_430 : memref<1000000x64xf32, #tpu.memory_space<hbm>>) target(%dma_start3A_422 : memref<80x64xf32, #tpu.memory_space<vmem>>) offsets(%dma_start3A_427 : memref<80xi32, #tpu.memory_space<vmem>>) semaphore(%arg10 : memref<!tpu.dma_semaphore, #tpu.memory_space<semaphore_mem>>)
      %dma_start3A_431 = arith.constant 1 : i32
      %dma_start3A_432 = arith.constant 1 : i32
      %dma_start3A_433 = arith.constant 0 : i32
      %dma_start3A_434 = arith.constant 0 : i32
      %dma_start3A_435 = tpu.memref_slice %arg7[%dma_start3A_432, %dma_start3A_433, %dma_start3A_434] : memref<2x400x64xf32, #tpu.memory_space<vmem>> -> memref<1x400x64xf32, #tpu.memory_space<vmem>>
      %dma_start3A_436 = tpu.memref_squeeze %dma_start3A_435 : memref<1x400x64xf32, #tpu.memory_space<vmem>> -> memref<400x64xf32, #tpu.memory_space<vmem>>
      %dma_start3A_437 = arith.constant 240 : i32
      %dma_start3A_438 = arith.constant 0 : i32
      %dma_start3A_439 = tpu.memref_slice %dma_start3A_436[%dma_start3A_437, %dma_start3A_438] : memref<400x64xf32, #tpu.memory_space<vmem>> -> memref<80x64xf32, #tpu.memory_space<vmem>>
      %dma_start3A_440 = arith.constant 0 : i32
      %dma_start3A_441 = tpu.memref_slice %arg6[%dma_start3A_431, %dma_start3A_440] : memref<2x400xi32, #tpu.memory_space<vmem>> -> memref<1x400xi32, #tpu.memory_space<vmem>>
      %dma_start3A_442 = tpu.memref_squeeze %dma_start3A_441 : memref<1x400xi32, #tpu.memory_space<vmem>> -> memref<400xi32, #tpu.memory_space<vmem>>
      %dma_start3A_443 = arith.constant 240 : i32
      %dma_start3A_444 = tpu.memref_slice %dma_start3A_442[%dma_start3A_443] : memref<400xi32, #tpu.memory_space<vmem>> -> memref<80xi32, #tpu.memory_space<vmem>>
      %dma_start3A_445 = arith.constant 0 : i32
      %dma_start3A_446 = arith.constant 0 : i32
      %dma_start3A_447 = tpu.memref_slice %arg2[%dma_start3A_445, %dma_start3A_446] : memref<1000000x64xf32, #tpu.memory_space<hbm>> -> memref<1000000x64xf32, #tpu.memory_space<hbm>>
      tpu.enqueue_indirect_dma source(%dma_start3A_447 : memref<1000000x64xf32, #tpu.memory_space<hbm>>) target(%dma_start3A_439 : memref<80x64xf32, #tpu.memory_space<vmem>>) offsets(%dma_start3A_444 : memref<80xi32, #tpu.memory_space<vmem>>) semaphore(%arg10 : memref<!tpu.dma_semaphore, #tpu.memory_space<semaphore_mem>>)
      %dma_start3A_448 = arith.constant 1 : i32
      %dma_start3A_449 = arith.constant 1 : i32
      %dma_start3A_450 = arith.constant 0 : i32
      %dma_start3A_451 = arith.constant 0 : i32
      %dma_start3A_452 = tpu.memref_slice %arg7[%dma_start3A_449, %dma_start3A_450, %dma_start3A_451] : memref<2x400x64xf32, #tpu.memory_space<vmem>> -> memref<1x400x64xf32, #tpu.memory_space<vmem>>
      %dma_start3A_453 = tpu.memref_squeeze %dma_start3A_452 : memref<1x400x64xf32, #tpu.memory_space<vmem>> -> memref<400x64xf32, #tpu.memory_space<vmem>>
      %dma_start3A_454 = arith.constant 320 : i32
      %dma_start3A_455 = arith.constant 0 : i32
      %dma_start3A_456 = tpu.memref_slice %dma_start3A_453[%dma_start3A_454, %dma_start3A_455] : memref<400x64xf32, #tpu.memory_space<vmem>> -> memref<80x64xf32, #tpu.memory_space<vmem>>
      %dma_start3A_457 = arith.constant 0 : i32
      %dma_start3A_458 = tpu.memref_slice %arg6[%dma_start3A_448, %dma_start3A_457] : memref<2x400xi32, #tpu.memory_space<vmem>> -> memref<1x400xi32, #tpu.memory_space<vmem>>
      %dma_start3A_459 = tpu.memref_squeeze %dma_start3A_458 : memref<1x400xi32, #tpu.memory_space<vmem>> -> memref<400xi32, #tpu.memory_space<vmem>>
      %dma_start3A_460 = arith.constant 320 : i32
      %dma_start3A_461 = tpu.memref_slice %dma_start3A_459[%dma_start3A_460] : memref<400xi32, #tpu.memory_space<vmem>> -> memref<80xi32, #tpu.memory_space<vmem>>
      %dma_start3A_462 = arith.constant 0 : i32
      %dma_start3A_463 = arith.constant 0 : i32
      %dma_start3A_464 = tpu.memref_slice %arg2[%dma_start3A_462, %dma_start3A_463] : memref<1000000x64xf32, #tpu.memory_space<hbm>> -> memref<1000000x64xf32, #tpu.memory_space<hbm>>
      tpu.enqueue_indirect_dma source(%dma_start3A_464 : memref<1000000x64xf32, #tpu.memory_space<hbm>>) target(%dma_start3A_456 : memref<80x64xf32, #tpu.memory_space<vmem>>) offsets(%dma_start3A_461 : memref<80xi32, #tpu.memory_space<vmem>>) semaphore(%arg10 : memref<!tpu.dma_semaphore, #tpu.memory_space<semaphore_mem>>)
      %dma_wait3A_465 = arith.constant 0 : i32
      %dma_wait3A_466 = arith.constant 0 : i32
      %dma_wait3A_467 = arith.constant 0 : i32
      %dma_wait3A_468 = arith.constant 0 : i32
      %dma_wait3A_469 = tpu.memref_slice %arg7[%dma_wait3A_466, %dma_wait3A_467, %dma_wait3A_468] : memref<2x400x64xf32, #tpu.memory_space<vmem>> -> memref<1x400x64xf32, #tpu.memory_space<vmem>>
      %dma_wait3A_470 = tpu.memref_squeeze %dma_wait3A_469 : memref<1x400x64xf32, #tpu.memory_space<vmem>> -> memref<400x64xf32, #tpu.memory_space<vmem>>
      %dma_wait3A_471 = arith.constant 0 : i32
      %dma_wait3A_472 = arith.constant 0 : i32
      %dma_wait3A_473 = tpu.memref_slice %dma_wait3A_470[%dma_wait3A_471, %dma_wait3A_472] : memref<400x64xf32, #tpu.memory_space<vmem>> -> memref<80x64xf32, #tpu.memory_space<vmem>>
      %dma_wait3A_474 = arith.constant 0 : i32
      %dma_wait3A_475 = tpu.memref_slice %arg6[%dma_wait3A_465, %dma_wait3A_474] : memref<2x400xi32, #tpu.memory_space<vmem>> -> memref<1x400xi32, #tpu.memory_space<vmem>>
      %dma_wait3A_476 = tpu.memref_squeeze %dma_wait3A_475 : memref<1x400xi32, #tpu.memory_space<vmem>> -> memref<400xi32, #tpu.memory_space<vmem>>
      %dma_wait3A_477 = arith.constant 0 : i32
      %dma_wait3A_478 = tpu.memref_slice %dma_wait3A_476[%dma_wait3A_477] : memref<400xi32, #tpu.memory_space<vmem>> -> memref<80xi32, #tpu.memory_space<vmem>>
      %dma_wait3A_479 = arith.constant 0 : i32
      %dma_wait3A_480 = arith.constant 0 : i32
      %dma_wait3A_481 = tpu.memref_slice %arg2[%dma_wait3A_479, %dma_wait3A_480] : memref<1000000x64xf32, #tpu.memory_space<hbm>> -> memref<1000000x64xf32, #tpu.memory_space<hbm>>
      tpu.wait_indirect_dma semaphore(%arg9 : memref<!tpu.dma_semaphore, #tpu.memory_space<semaphore_mem>>) src(%dma_wait3A_481 : memref<1000000x64xf32, #tpu.memory_space<hbm>>) dst(%dma_wait3A_473 : memref<80x64xf32, #tpu.memory_space<vmem>>)
      %dma_wait3A_482 = arith.constant 0 : i32
      %dma_wait3A_483 = arith.constant 0 : i32
      %dma_wait3A_484 = arith.constant 0 : i32
      %dma_wait3A_485 = arith.constant 0 : i32
      %dma_wait3A_486 = tpu.memref_slice %arg7[%dma_wait3A_483, %dma_wait3A_484, %dma_wait3A_485] : memref<2x400x64xf32, #tpu.memory_space<vmem>> -> memref<1x400x64xf32, #tpu.memory_space<vmem>>
      %dma_wait3A_487 = tpu.memref_squeeze %dma_wait3A_486 : memref<1x400x64xf32, #tpu.memory_space<vmem>> -> memref<400x64xf32, #tpu.memory_space<vmem>>
      %dma_wait3A_488 = arith.constant 80 : i32
      %dma_wait3A_489 = arith.constant 0 : i32
      %dma_wait3A_490 = tpu.memref_slice %dma_wait3A_487[%dma_wait3A_488, %dma_wait3A_489] : memref<400x64xf32, #tpu.memory_space<vmem>> -> memref<80x64xf32, #tpu.memory_space<vmem>>
      %dma_wait3A_491 = arith.constant 0 : i32
      %dma_wait3A_492 = tpu.memref_slice %arg6[%dma_wait3A_482, %dma_wait3A_491] : memref<2x400xi32, #tpu.memory_space<vmem>> -> memref<1x400xi32, #tpu.memory_space<vmem>>
      %dma_wait3A_493 = tpu.memref_squeeze %dma_wait3A_492 : memref<1x400xi32, #tpu.memory_space<vmem>> -> memref<400xi32, #tpu.memory_space<vmem>>
      %dma_wait3A_494 = arith.constant 80 : i32
      %dma_wait3A_495 = tpu.memref_slice %dma_wait3A_493[%dma_wait3A_494] : memref<400xi32, #tpu.memory_space<vmem>> -> memref<80xi32, #tpu.memory_space<vmem>>
      %dma_wait3A_496 = arith.constant 0 : i32
      %dma_wait3A_497 = arith.constant 0 : i32
      %dma_wait3A_498 = tpu.memref_slice %arg2[%dma_wait3A_496, %dma_wait3A_497] : memref<1000000x64xf32, #tpu.memory_space<hbm>> -> memref<1000000x64xf32, #tpu.memory_space<hbm>>
      tpu.wait_indirect_dma semaphore(%arg9 : memref<!tpu.dma_semaphore, #tpu.memory_space<semaphore_mem>>) src(%dma_wait3A_498 : memref<1000000x64xf32, #tpu.memory_space<hbm>>) dst(%dma_wait3A_490 : memref<80x64xf32, #tpu.memory_space<vmem>>)
      %dma_wait3A_499 = arith.constant 0 : i32
      %dma_wait3A_500 = arith.constant 0 : i32
      %dma_wait3A_501 = arith.constant 0 : i32
      %dma_wait3A_502 = arith.constant 0 : i32
      %dma_wait3A_503 = tpu.memref_slice %arg7[%dma_wait3A_500, %dma_wait3A_501, %dma_wait3A_502] : memref<2x400x64xf32, #tpu.memory_space<vmem>> -> memref<1x400x64xf32, #tpu.memory_space<vmem>>
      %dma_wait3A_504 = tpu.memref_squeeze %dma_wait3A_503 : memref<1x400x64xf32, #tpu.memory_space<vmem>> -> memref<400x64xf32, #tpu.memory_space<vmem>>
      %dma_wait3A_505 = arith.constant 160 : i32
      %dma_wait3A_506 = arith.constant 0 : i32
      %dma_wait3A_507 = tpu.memref_slice %dma_wait3A_504[%dma_wait3A_505, %dma_wait3A_506] : memref<400x64xf32, #tpu.memory_space<vmem>> -> memref<80x64xf32, #tpu.memory_space<vmem>>
      %dma_wait3A_508 = arith.constant 0 : i32
      %dma_wait3A_509 = tpu.memref_slice %arg6[%dma_wait3A_499, %dma_wait3A_508] : memref<2x400xi32, #tpu.memory_space<vmem>> -> memref<1x400xi32, #tpu.memory_space<vmem>>
      %dma_wait3A_510 = tpu.memref_squeeze %dma_wait3A_509 : memref<1x400xi32, #tpu.memory_space<vmem>> -> memref<400xi32, #tpu.memory_space<vmem>>
      %dma_wait3A_511 = arith.constant 160 : i32
      %dma_wait3A_512 = tpu.memref_slice %dma_wait3A_510[%dma_wait3A_511] : memref<400xi32, #tpu.memory_space<vmem>> -> memref<80xi32, #tpu.memory_space<vmem>>
      %dma_wait3A_513 = arith.constant 0 : i32
      %dma_wait3A_514 = arith.constant 0 : i32
      %dma_wait3A_515 = tpu.memref_slice %arg2[%dma_wait3A_513, %dma_wait3A_514] : memref<1000000x64xf32, #tpu.memory_space<hbm>> -> memref<1000000x64xf32, #tpu.memory_space<hbm>>
      tpu.wait_indirect_dma semaphore(%arg9 : memref<!tpu.dma_semaphore, #tpu.memory_space<semaphore_mem>>) src(%dma_wait3A_515 : memref<1000000x64xf32, #tpu.memory_space<hbm>>) dst(%dma_wait3A_507 : memref<80x64xf32, #tpu.memory_space<vmem>>)
      %dma_wait3A_516 = arith.constant 0 : i32
      %dma_wait3A_517 = arith.constant 0 : i32
      %dma_wait3A_518 = arith.constant 0 : i32
      %dma_wait3A_519 = arith.constant 0 : i32
      %dma_wait3A_520 = tpu.memref_slice %arg7[%dma_wait3A_517, %dma_wait3A_518, %dma_wait3A_519] : memref<2x400x64xf32, #tpu.memory_space<vmem>> -> memref<1x400x64xf32, #tpu.memory_space<vmem>>
      %dma_wait3A_521 = tpu.memref_squeeze %dma_wait3A_520 : memref<1x400x64xf32, #tpu.memory_space<vmem>> -> memref<400x64xf32, #tpu.memory_space<vmem>>
      %dma_wait3A_522 = arith.constant 240 : i32
      %dma_wait3A_523 = arith.constant 0 : i32
      %dma_wait3A_524 = tpu.memref_slice %dma_wait3A_521[%dma_wait3A_522, %dma_wait3A_523] : memref<400x64xf32, #tpu.memory_space<vmem>> -> memref<80x64xf32, #tpu.memory_space<vmem>>
      %dma_wait3A_525 = arith.constant 0 : i32
      %dma_wait3A_526 = tpu.memref_slice %arg6[%dma_wait3A_516, %dma_wait3A_525] : memref<2x400xi32, #tpu.memory_space<vmem>> -> memref<1x400xi32, #tpu.memory_space<vmem>>
      %dma_wait3A_527 = tpu.memref_squeeze %dma_wait3A_526 : memref<1x400xi32, #tpu.memory_space<vmem>> -> memref<400xi32, #tpu.memory_space<vmem>>
      %dma_wait3A_528 = arith.constant 240 : i32
      %dma_wait3A_529 = tpu.memref_slice %dma_wait3A_527[%dma_wait3A_528] : memref<400xi32, #tpu.memory_space<vmem>> -> memref<80xi32, #tpu.memory_space<vmem>>
      %dma_wait3A_530 = arith.constant 0 : i32
      %dma_wait3A_531 = arith.constant 0 : i32
      %dma_wait3A_532 = tpu.memref_slice %arg2[%dma_wait3A_530, %dma_wait3A_531] : memref<1000000x64xf32, #tpu.memory_space<hbm>> -> memref<1000000x64xf32, #tpu.memory_space<hbm>>
      tpu.wait_indirect_dma semaphore(%arg9 : memref<!tpu.dma_semaphore, #tpu.memory_space<semaphore_mem>>) src(%dma_wait3A_532 : memref<1000000x64xf32, #tpu.memory_space<hbm>>) dst(%dma_wait3A_524 : memref<80x64xf32, #tpu.memory_space<vmem>>)
      %dma_wait3A_533 = arith.constant 0 : i32
      %dma_wait3A_534 = arith.constant 0 : i32
      %dma_wait3A_535 = arith.constant 0 : i32
      %dma_wait3A_536 = arith.constant 0 : i32
      %dma_wait3A_537 = tpu.memref_slice %arg7[%dma_wait3A_534, %dma_wait3A_535, %dma_wait3A_536] : memref<2x400x64xf32, #tpu.memory_space<vmem>> -> memref<1x400x64xf32, #tpu.memory_space<vmem>>
      %dma_wait3A_538 = tpu.memref_squeeze %dma_wait3A_537 : memref<1x400x64xf32, #tpu.memory_space<vmem>> -> memref<400x64xf32, #tpu.memory_space<vmem>>
      %dma_wait3A_539 = arith.constant 320 : i32
      %dma_wait3A_540 = arith.constant 0 : i32
      %dma_wait3A_541 = tpu.memref_slice %dma_wait3A_538[%dma_wait3A_539, %dma_wait3A_540] : memref<400x64xf32, #tpu.memory_space<vmem>> -> memref<80x64xf32, #tpu.memory_space<vmem>>
      %dma_wait3A_542 = arith.constant 0 : i32
      %dma_wait3A_543 = tpu.memref_slice %arg6[%dma_wait3A_533, %dma_wait3A_542] : memref<2x400xi32, #tpu.memory_space<vmem>> -> memref<1x400xi32, #tpu.memory_space<vmem>>
      %dma_wait3A_544 = tpu.memref_squeeze %dma_wait3A_543 : memref<1x400xi32, #tpu.memory_space<vmem>> -> memref<400xi32, #tpu.memory_space<vmem>>
      %dma_wait3A_545 = arith.constant 320 : i32
      %dma_wait3A_546 = tpu.memref_slice %dma_wait3A_544[%dma_wait3A_545] : memref<400xi32, #tpu.memory_space<vmem>> -> memref<80xi32, #tpu.memory_space<vmem>>
      %dma_wait3A_547 = arith.constant 0 : i32
      %dma_wait3A_548 = arith.constant 0 : i32
      %dma_wait3A_549 = tpu.memref_slice %arg2[%dma_wait3A_547, %dma_wait3A_548] : memref<1000000x64xf32, #tpu.memory_space<hbm>> -> memref<1000000x64xf32, #tpu.memory_space<hbm>>
      tpu.wait_indirect_dma semaphore(%arg9 : memref<!tpu.dma_semaphore, #tpu.memory_space<semaphore_mem>>) src(%dma_wait3A_549 : memref<1000000x64xf32, #tpu.memory_space<hbm>>) dst(%dma_wait3A_541 : memref<80x64xf32, #tpu.memory_space<vmem>>)
      %scan3A_550 = arith.constant 0 : i32
      %scan3A_551 = arith.constant 0 : i32
      %scan3A_552 = arith.constant 200 : i32
      %scan3A_553 = arith.addi %scan3A_551, %scan3A_552 : i32
      %scan3A_554 = arith.constant 1 : i32
      %scan3A_555 = scf.for %scan3A_742 = %scan3A_551 to %scan3A_553 step %scan3A_554 iter_args(%scan3A_743 = %scan3A_550) -> (i32)  : i32 {
        %get3A = arith.index_cast %scan3A_742 : i32 to index
        %get3A_744 = arith.constant 0 : index
        %get3A_745 = tpu.vector_load %arg8[%get3A, %get3A_744] {strides = array<i32>} : memref<200x64xf32, #tpu.memory_space<vmem>>, vector<1x16xf32>,
        %get3A_746 = vector.shape_cast %get3A_745 : vector<1x16xf32> to vector<16xf32>
        %add3A_747 = arith.constant 0 : i32
        %add3A_748 = arith.addi %add3A_747, %scan3A_742 : i32
        %swap3A = arith.constant 0 : i32
        %swap3A_749 = arith.index_cast %swap3A : i32 to index
        %swap3A_750 = arith.index_cast %add3A_748 : i32 to index
        %swap3A_751 = arith.constant 0 : index
        %swap3A_752 = tpu.vector_load %arg7[%swap3A_749, %swap3A_750, %swap3A_751] {strides = array<i32>} : memref<2x400x64xf32, #tpu.memory_space<vmem>>, vector<1x1x16xf32>,
        %swap3A_753 = vector.shape_cast %swap3A_752 : vector<1x1x16xf32> to vector<16xf32>
        %swap3A_754 = vector.shape_cast %get3A_746 : vector<16xf32> to vector<1x1x16xf32>
        tpu.vector_store %arg7[%swap3A_749, %swap3A_750, %swap3A_751], %swap3A_754 {add = true, strides = array<i32>} : memref<2x400x64xf32, #tpu.memory_space<vmem>>, vector<1x1x16xf32>,
        %add3A_755 = arith.constant 200 : i32
        %add3A_756 = arith.addi %add3A_755, %scan3A_742 : i32
        %swap3A_757 = arith.constant 0 : i32
        %swap3A_758 = arith.index_cast %swap3A_757 : i32 to index
        %swap3A_759 = arith.index_cast %add3A_756 : i32 to index
        %swap3A_760 = arith.constant 0 : index
        %swap3A_761 = tpu.vector_load %arg7[%swap3A_758, %swap3A_759, %swap3A_760] {strides = array<i32>} : memref<2x400x64xf32, #tpu.memory_space<vmem>>, vector<1x1x16xf32>,
        %swap3A_762 = vector.shape_cast %swap3A_761 : vector<1x1x16xf32> to vector<16xf32>
        %swap3A_763 = vector.shape_cast %get3A_746 : vector<16xf32> to vector<1x1x16xf32>
        tpu.vector_store %arg7[%swap3A_758, %swap3A_759, %swap3A_760], %swap3A_763 {add = true, strides = array<i32>} : memref<2x400x64xf32, #tpu.memory_space<vmem>>, vector<1x1x16xf32>,
        %get3A_764 = arith.index_cast %scan3A_742 : i32 to index
        %get3A_765 = arith.constant 16 : index
        %get3A_766 = tpu.vector_load %arg8[%get3A_764, %get3A_765] {strides = array<i32>} : memref<200x64xf32, #tpu.memory_space<vmem>>, vector<1x16xf32>,
        %get3A_767 = vector.shape_cast %get3A_766 : vector<1x16xf32> to vector<16xf32>
        %add3A_768 = arith.constant 0 : i32
        %add3A_769 = arith.addi %add3A_768, %scan3A_742 : i32
        %swap3A_770 = arith.constant 0 : i32
        %swap3A_771 = arith.index_cast %swap3A_770 : i32 to index
        %swap3A_772 = arith.index_cast %add3A_769 : i32 to index
        %swap3A_773 = arith.constant 16 : index
        %swap3A_774 = tpu.vector_load %arg7[%swap3A_771, %swap3A_772, %swap3A_773] {strides = array<i32>} : memref<2x400x64xf32, #tpu.memory_space<vmem>>, vector<1x1x16xf32>,
        %swap3A_775 = vector.shape_cast %swap3A_774 : vector<1x1x16xf32> to vector<16xf32>
        %swap3A_776 = vector.shape_cast %get3A_767 : vector<16xf32> to vector<1x1x16xf32>
        tpu.vector_store %arg7[%swap3A_771, %swap3A_772, %swap3A_773], %swap3A_776 {add = true, strides = array<i32>} : memref<2x400x64xf32, #tpu.memory_space<vmem>>, vector<1x1x16xf32>,
        %add3A_777 = arith.constant 200 : i32
        %add3A_778 = arith.addi %add3A_777, %scan3A_742 : i32
        %swap3A_779 = arith.constant 0 : i32
        %swap3A_780 = arith.index_cast %swap3A_779 : i32 to index
        %swap3A_781 = arith.index_cast %add3A_778 : i32 to index
        %swap3A_782 = arith.constant 16 : index
        %swap3A_783 = tpu.vector_load %arg7[%swap3A_780, %swap3A_781, %swap3A_782] {strides = array<i32>} : memref<2x400x64xf32, #tpu.memory_space<vmem>>, vector<1x1x16xf32>,
        %swap3A_784 = vector.shape_cast %swap3A_783 : vector<1x1x16xf32> to vector<16xf32>
        %swap3A_785 = vector.shape_cast %get3A_767 : vector<16xf32> to vector<1x1x16xf32>
        tpu.vector_store %arg7[%swap3A_780, %swap3A_781, %swap3A_782], %swap3A_785 {add = true, strides = array<i32>} : memref<2x400x64xf32, #tpu.memory_space<vmem>>, vector<1x1x16xf32>,
        %get3A_786 = arith.index_cast %scan3A_742 : i32 to index
        %get3A_787 = arith.constant 32 : index
        %get3A_788 = tpu.vector_load %arg8[%get3A_786, %get3A_787] {strides = array<i32>} : memref<200x64xf32, #tpu.memory_space<vmem>>, vector<1x16xf32>,
        %get3A_789 = vector.shape_cast %get3A_788 : vector<1x16xf32> to vector<16xf32>
        %add3A_790 = arith.constant 0 : i32
        %add3A_791 = arith.addi %add3A_790, %scan3A_742 : i32
        %swap3A_792 = arith.constant 0 : i32
        %swap3A_793 = arith.index_cast %swap3A_792 : i32 to index
        %swap3A_794 = arith.index_cast %add3A_791 : i32 to index
        %swap3A_795 = arith.constant 32 : index
        %swap3A_796 = tpu.vector_load %arg7[%swap3A_793, %swap3A_794, %swap3A_795] {strides = array<i32>} : memref<2x400x64xf32, #tpu.memory_space<vmem>>, vector<1x1x16xf32>,
        %swap3A_797 = vector.shape_cast %swap3A_796 : vector<1x1x16xf32> to vector<16xf32>
        %swap3A_798 = vector.shape_cast %get3A_789 : vector<16xf32> to vector<1x1x16xf32>
        tpu.vector_store %arg7[%swap3A_793, %swap3A_794, %swap3A_795], %swap3A_798 {add = true, strides = array<i32>} : memref<2x400x64xf32, #tpu.memory_space<vmem>>, vector<1x1x16xf32>,
        %add3A_799 = arith.constant 200 : i32
        %add3A_800 = arith.addi %add3A_799, %scan3A_742 : i32
        %swap3A_801 = arith.constant 0 : i32
        %swap3A_802 = arith.index_cast %swap3A_801 : i32 to index
        %swap3A_803 = arith.index_cast %add3A_800 : i32 to index
        %swap3A_804 = arith.constant 32 : index
        %swap3A_805 = tpu.vector_load %arg7[%swap3A_802, %swap3A_803, %swap3A_804] {strides = array<i32>} : memref<2x400x64xf32, #tpu.memory_space<vmem>>, vector<1x1x16xf32>,
        %swap3A_806 = vector.shape_cast %swap3A_805 : vector<1x1x16xf32> to vector<16xf32>
        %swap3A_807 = vector.shape_cast %get3A_789 : vector<16xf32> to vector<1x1x16xf32>
        tpu.vector_store %arg7[%swap3A_802, %swap3A_803, %swap3A_804], %swap3A_807 {add = true, strides = array<i32>} : memref<2x400x64xf32, #tpu.memory_space<vmem>>, vector<1x1x16xf32>,
        %get3A_808 = arith.index_cast %scan3A_742 : i32 to index
        %get3A_809 = arith.constant 48 : index
        %get3A_810 = tpu.vector_load %arg8[%get3A_808, %get3A_809] {strides = array<i32>} : memref<200x64xf32, #tpu.memory_space<vmem>>, vector<1x16xf32>,
        %get3A_811 = vector.shape_cast %get3A_810 : vector<1x16xf32> to vector<16xf32>
        %add3A_812 = arith.constant 0 : i32
        %add3A_813 = arith.addi %add3A_812, %scan3A_742 : i32
        %swap3A_814 = arith.constant 0 : i32
        %swap3A_815 = arith.index_cast %swap3A_814 : i32 to index
        %swap3A_816 = arith.index_cast %add3A_813 : i32 to index
        %swap3A_817 = arith.constant 48 : index
        %swap3A_818 = tpu.vector_load %arg7[%swap3A_815, %swap3A_816, %swap3A_817] {strides = array<i32>} : memref<2x400x64xf32, #tpu.memory_space<vmem>>, vector<1x1x16xf32>,
        %swap3A_819 = vector.shape_cast %swap3A_818 : vector<1x1x16xf32> to vector<16xf32>
        %swap3A_820 = vector.shape_cast %get3A_811 : vector<16xf32> to vector<1x1x16xf32>
        tpu.vector_store %arg7[%swap3A_815, %swap3A_816, %swap3A_817], %swap3A_820 {add = true, strides = array<i32>} : memref<2x400x64xf32, #tpu.memory_space<vmem>>, vector<1x1x16xf32>,
        %add3A_821 = arith.constant 200 : i32
        %add3A_822 = arith.addi %add3A_821, %scan3A_742 : i32
        %swap3A_823 = arith.constant 0 : i32
        %swap3A_824 = arith.index_cast %swap3A_823 : i32 to index
        %swap3A_825 = arith.index_cast %add3A_822 : i32 to index
        %swap3A_826 = arith.constant 48 : index
        %swap3A_827 = tpu.vector_load %arg7[%swap3A_824, %swap3A_825, %swap3A_826] {strides = array<i32>} : memref<2x400x64xf32, #tpu.memory_space<vmem>>, vector<1x1x16xf32>,
        %swap3A_828 = vector.shape_cast %swap3A_827 : vector<1x1x16xf32> to vector<16xf32>
        %swap3A_829 = vector.shape_cast %get3A_811 : vector<16xf32> to vector<1x1x16xf32>
        tpu.vector_store %arg7[%swap3A_824, %swap3A_825, %swap3A_826], %swap3A_829 {add = true, strides = array<i32>} : memref<2x400x64xf32, #tpu.memory_space<vmem>>, vector<1x1x16xf32>,
        %scan3A_830 = arith.constant 0 : i32
        scf.yield %scan3A_830 : i32
      }
      %scan3A_556 = arith.constant 200 : i32
      %run_scoped3A_557 = arith.constant 0 : i32
      "tpu.region"() ({
        %run_scoped3A_742 = tpu.sem_alloc : memref<!tpu.dma_semaphore, #tpu.memory_space<semaphore_mem>>
        %dma_start3A_743 = arith.constant 0 : i32
        %dma_start3A_744 = arith.constant 0 : i32
        %dma_start3A_745 = tpu.memref_slice %arg7[%run_scoped3A_557, %dma_start3A_743, %dma_start3A_744] : memref<2x400x64xf32, #tpu.memory_space<vmem>> -> memref<1x400x64xf32, #tpu.memory_space<vmem>>
        %dma_start3A_746 = tpu.memref_squeeze %dma_start3A_745 : memref<1x400x64xf32, #tpu.memory_space<vmem>> -> memref<400x64xf32, #tpu.memory_space<vmem>>
        %dma_start3A_747 = arith.constant 0 : i32
        %dma_start3A_748 = tpu.memref_slice %arg5[%add3A_376, %dma_start3A_747] : memref<819200x128xf32, #tpu.memory_space<hbm>> -> memref<400x128xf32, #tpu.memory_space<hbm>>
        %dma_start3A_749 = arith.constant 0 : i32
        %dma_start3A_750 = arith.constant 0 : i32
        %dma_start3A_751 = tpu.memref_slice %dma_start3A_748[%dma_start3A_749, %dma_start3A_750] : memref<400x128xf32, #tpu.memory_space<hbm>> -> memref<400x64xf32, #tpu.memory_space<hbm>>
        %dma_start3A_752 = arith.constant 0 : i32
        %dma_start3A_753 = tpu.memref_slice %arg5[%add3A_376, %dma_start3A_752] : memref<819200x128xf32, #tpu.memory_space<hbm>> -> memref<400x128xf32, #tpu.memory_space<hbm>>
        %dma_start3A_754 = arith.constant 0 : i32
        %dma_start3A_755 = arith.constant 0 : i32
        %dma_start3A_756 = tpu.memref_slice %dma_start3A_753[%dma_start3A_754, %dma_start3A_755] : memref<400x128xf32, #tpu.memory_space<hbm>> -> memref<400x64xf32, #tpu.memory_space<hbm>>
        %dma_start3A_757 = arith.constant 0 : i32
        %dma_start3A_758 = arith.constant 0 : i32
        %dma_start3A_759 = tpu.memref_slice %arg7[%run_scoped3A_557, %dma_start3A_757, %dma_start3A_758] : memref<2x400x64xf32, #tpu.memory_space<vmem>> -> memref<1x400x64xf32, #tpu.memory_space<vmem>>
        %dma_start3A_760 = tpu.memref_squeeze %dma_start3A_759 : memref<1x400x64xf32, #tpu.memory_space<vmem>> -> memref<400x64xf32, #tpu.memory_space<vmem>>
        tpu.enqueue_dma source(%dma_start3A_760 : memref<400x64xf32, #tpu.memory_space<vmem>>) target(%dma_start3A_756 : memref<400x64xf32, #tpu.memory_space<hbm>>) target_semaphore(%run_scoped3A_742 : memref<!tpu.dma_semaphore, #tpu.memory_space<semaphore_mem>>)
        %dma_wait3A_761 = arith.constant 0 : i32
        %dma_wait3A_762 = arith.constant 0 : i32
        %dma_wait3A_763 = tpu.memref_slice %arg7[%run_scoped3A_557, %dma_wait3A_761, %dma_wait3A_762] : memref<2x400x64xf32, #tpu.memory_space<vmem>> -> memref<1x400x64xf32, #tpu.memory_space<vmem>>
        %dma_wait3A_764 = tpu.memref_squeeze %dma_wait3A_763 : memref<1x400x64xf32, #tpu.memory_space<vmem>> -> memref<400x64xf32, #tpu.memory_space<vmem>>
        %dma_wait3A_765 = arith.constant 0 : i32
        %dma_wait3A_766 = tpu.memref_slice %arg5[%add3A_376, %dma_wait3A_765] : memref<819200x128xf32, #tpu.memory_space<hbm>> -> memref<400x128xf32, #tpu.memory_space<hbm>>
        %dma_wait3A_767 = arith.constant 0 : i32
        %dma_wait3A_768 = arith.constant 0 : i32
        %dma_wait3A_769 = tpu.memref_slice %dma_wait3A_766[%dma_wait3A_767, %dma_wait3A_768] : memref<400x128xf32, #tpu.memory_space<hbm>> -> memref<400x64xf32, #tpu.memory_space<hbm>>
        %dma_wait3A_770 = arith.constant 0 : i32
        %dma_wait3A_771 = tpu.memref_slice %arg5[%add3A_376, %dma_wait3A_770] : memref<819200x128xf32, #tpu.memory_space<hbm>> -> memref<400x128xf32, #tpu.memory_space<hbm>>
        %dma_wait3A_772 = arith.constant 0 : i32
        %dma_wait3A_773 = arith.constant 0 : i32
        %dma_wait3A_774 = tpu.memref_slice %dma_wait3A_771[%dma_wait3A_772, %dma_wait3A_773] : memref<400x128xf32, #tpu.memory_space<hbm>> -> memref<400x64xf32, #tpu.memory_space<hbm>>
        %dma_wait3A_775 = arith.constant 0 : i32
        %dma_wait3A_776 = arith.constant 0 : i32
        %dma_wait3A_777 = tpu.memref_slice %arg7[%run_scoped3A_557, %dma_wait3A_775, %dma_wait3A_776] : memref<2x400x64xf32, #tpu.memory_space<vmem>> -> memref<1x400x64xf32, #tpu.memory_space<vmem>>
        %dma_wait3A_778 = tpu.memref_squeeze %dma_wait3A_777 : memref<1x400x64xf32, #tpu.memory_space<vmem>> -> memref<400x64xf32, #tpu.memory_space<vmem>>
        tpu.wait_dma2 semaphore(%run_scoped3A_742 : memref<!tpu.dma_semaphore, #tpu.memory_space<semaphore_mem>>) src(%dma_wait3A_778 : memref<400x64xf32, #tpu.memory_space<vmem>>) dst(%dma_wait3A_774 : memref<400x64xf32, #tpu.memory_space<hbm>>)
        tpu.yield
      }) : () -> ()
      %add3A_558 = arith.constant 800 : i32
      %add3A_559 = arith.addi %add3A_376, %add3A_558 : i32
      %run_scoped3A_560 = arith.constant 0 : i32
      "tpu.region"() ({
        %run_scoped3A_742 = tpu.sem_alloc : memref<!tpu.dma_semaphore, #tpu.memory_space<semaphore_mem>>
        %dma_start3A_743 = arith.constant 0 : i32
        %dma_start3A_744 = tpu.memref_slice %arg6[%run_scoped3A_560, %dma_start3A_743] : memref<2x400xi32, #tpu.memory_space<vmem>> -> memref<1x400xi32, #tpu.memory_space<vmem>>
        %dma_start3A_745 = tpu.memref_squeeze %dma_start3A_744 : memref<1x400xi32, #tpu.memory_space<vmem>> -> memref<400xi32, #tpu.memory_space<vmem>>
        %dma_start3A_746 = tpu.memref_slice %arg3[%add3A_559] : memref<819200xi32, #tpu.memory_space<hbm>> -> memref<400xi32, #tpu.memory_space<hbm>>
        %dma_start3A_747 = arith.constant 0 : i32
        %dma_start3A_748 = tpu.memref_slice %arg6[%run_scoped3A_560, %dma_start3A_747] : memref<2x400xi32, #tpu.memory_space<vmem>> -> memref<1x400xi32, #tpu.memory_space<vmem>>
        %dma_start3A_749 = tpu.memref_squeeze %dma_start3A_748 : memref<1x400xi32, #tpu.memory_space<vmem>> -> memref<400xi32, #tpu.memory_space<vmem>>
        %dma_start3A_750 = tpu.memref_slice %arg3[%add3A_559] : memref<819200xi32, #tpu.memory_space<hbm>> -> memref<400xi32, #tpu.memory_space<hbm>>
        tpu.enqueue_dma source(%dma_start3A_750 : memref<400xi32, #tpu.memory_space<hbm>>) target(%dma_start3A_749 : memref<400xi32, #tpu.memory_space<vmem>>) target_semaphore(%run_scoped3A_742 : memref<!tpu.dma_semaphore, #tpu.memory_space<semaphore_mem>>)
        %dma_wait3A_751 = arith.constant 0 : i32
        %dma_wait3A_752 = tpu.memref_slice %arg6[%run_scoped3A_560, %dma_wait3A_751] : memref<2x400xi32, #tpu.memory_space<vmem>> -> memref<1x400xi32, #tpu.memory_space<vmem>>
        %dma_wait3A_753 = tpu.memref_squeeze %dma_wait3A_752 : memref<1x400xi32, #tpu.memory_space<vmem>> -> memref<400xi32, #tpu.memory_space<vmem>>
        %dma_wait3A_754 = tpu.memref_slice %arg3[%add3A_559] : memref<819200xi32, #tpu.memory_space<hbm>> -> memref<400xi32, #tpu.memory_space<hbm>>
        %dma_wait3A_755 = arith.constant 0 : i32
        %dma_wait3A_756 = tpu.memref_slice %arg6[%run_scoped3A_560, %dma_wait3A_755] : memref<2x400xi32, #tpu.memory_space<vmem>> -> memref<1x400xi32, #tpu.memory_space<vmem>>
        %dma_wait3A_757 = tpu.memref_squeeze %dma_wait3A_756 : memref<1x400xi32, #tpu.memory_space<vmem>> -> memref<400xi32, #tpu.memory_space<vmem>>
        %dma_wait3A_758 = tpu.memref_slice %arg3[%add3A_559] : memref<819200xi32, #tpu.memory_space<hbm>> -> memref<400xi32, #tpu.memory_space<hbm>>
        tpu.wait_dma2 semaphore(%run_scoped3A_742 : memref<!tpu.dma_semaphore, #tpu.memory_space<semaphore_mem>>) src(%dma_wait3A_758 : memref<400xi32, #tpu.memory_space<hbm>>) dst(%dma_wait3A_757 : memref<400xi32, #tpu.memory_space<vmem>>)
        tpu.yield
      }) : () -> ()
      %dma_start3A_561 = arith.constant 0 : i32
      %dma_start3A_562 = arith.constant 0 : i32
      %dma_start3A_563 = arith.constant 0 : i32
      %dma_start3A_564 = arith.constant 0 : i32
      %dma_start3A_565 = tpu.memref_slice %arg7[%dma_start3A_562, %dma_start3A_563, %dma_start3A_564] : memref<2x400x64xf32, #tpu.memory_space<vmem>> -> memref<1x400x64xf32, #tpu.memory_space<vmem>>
      %dma_start3A_566 = tpu.memref_squeeze %dma_start3A_565 : memref<1x400x64xf32, #tpu.memory_space<vmem>> -> memref<400x64xf32, #tpu.memory_space<vmem>>
      %dma_start3A_567 = arith.constant 0 : i32
      %dma_start3A_568 = arith.constant 0 : i32
      %dma_start3A_569 = tpu.memref_slice %dma_start3A_566[%dma_start3A_567, %dma_start3A_568] : memref<400x64xf32, #tpu.memory_space<vmem>> -> memref<80x64xf32, #tpu.memory_space<vmem>>
      %dma_start3A_570 = arith.constant 0 : i32
      %dma_start3A_571 = tpu.memref_slice %arg6[%dma_start3A_561, %dma_start3A_570] : memref<2x400xi32, #tpu.memory_space<vmem>> -> memref<1x400xi32, #tpu.memory_space<vmem>>
      %dma_start3A_572 = tpu.memref_squeeze %dma_start3A_571 : memref<1x400xi32, #tpu.memory_space<vmem>> -> memref<400xi32, #tpu.memory_space<vmem>>
      %dma_start3A_573 = arith.constant 0 : i32
      %dma_start3A_574 = tpu.memref_slice %dma_start3A_572[%dma_start3A_573] : memref<400xi32, #tpu.memory_space<vmem>> -> memref<80xi32, #tpu.memory_space<vmem>>
      %dma_start3A_575 = arith.constant 0 : i32
      %dma_start3A_576 = arith.constant 0 : i32
      %dma_start3A_577 = tpu.memref_slice %arg2[%dma_start3A_575, %dma_start3A_576] : memref<1000000x64xf32, #tpu.memory_space<hbm>> -> memref<1000000x64xf32, #tpu.memory_space<hbm>>
      tpu.enqueue_indirect_dma source(%dma_start3A_577 : memref<1000000x64xf32, #tpu.memory_space<hbm>>) target(%dma_start3A_569 : memref<80x64xf32, #tpu.memory_space<vmem>>) offsets(%dma_start3A_574 : memref<80xi32, #tpu.memory_space<vmem>>) semaphore(%arg9 : memref<!tpu.dma_semaphore, #tpu.memory_space<semaphore_mem>>)
      %dma_start3A_578 = arith.constant 0 : i32
      %dma_start3A_579 = arith.constant 0 : i32
      %dma_start3A_580 = arith.constant 0 : i32
      %dma_start3A_581 = arith.constant 0 : i32
      %dma_start3A_582 = tpu.memref_slice %arg7[%dma_start3A_579, %dma_start3A_580, %dma_start3A_581] : memref<2x400x64xf32, #tpu.memory_space<vmem>> -> memref<1x400x64xf32, #tpu.memory_space<vmem>>
      %dma_start3A_583 = tpu.memref_squeeze %dma_start3A_582 : memref<1x400x64xf32, #tpu.memory_space<vmem>> -> memref<400x64xf32, #tpu.memory_space<vmem>>
      %dma_start3A_584 = arith.constant 80 : i32
      %dma_start3A_585 = arith.constant 0 : i32
      %dma_start3A_586 = tpu.memref_slice %dma_start3A_583[%dma_start3A_584, %dma_start3A_585] : memref<400x64xf32, #tpu.memory_space<vmem>> -> memref<80x64xf32, #tpu.memory_space<vmem>>
      %dma_start3A_587 = arith.constant 0 : i32
      %dma_start3A_588 = tpu.memref_slice %arg6[%dma_start3A_578, %dma_start3A_587] : memref<2x400xi32, #tpu.memory_space<vmem>> -> memref<1x400xi32, #tpu.memory_space<vmem>>
      %dma_start3A_589 = tpu.memref_squeeze %dma_start3A_588 : memref<1x400xi32, #tpu.memory_space<vmem>> -> memref<400xi32, #tpu.memory_space<vmem>>
      %dma_start3A_590 = arith.constant 80 : i32
      %dma_start3A_591 = tpu.memref_slice %dma_start3A_589[%dma_start3A_590] : memref<400xi32, #tpu.memory_space<vmem>> -> memref<80xi32, #tpu.memory_space<vmem>>
      %dma_start3A_592 = arith.constant 0 : i32
      %dma_start3A_593 = arith.constant 0 : i32
      %dma_start3A_594 = tpu.memref_slice %arg2[%dma_start3A_592, %dma_start3A_593] : memref<1000000x64xf32, #tpu.memory_space<hbm>> -> memref<1000000x64xf32, #tpu.memory_space<hbm>>
      tpu.enqueue_indirect_dma source(%dma_start3A_594 : memref<1000000x64xf32, #tpu.memory_space<hbm>>) target(%dma_start3A_586 : memref<80x64xf32, #tpu.memory_space<vmem>>) offsets(%dma_start3A_591 : memref<80xi32, #tpu.memory_space<vmem>>) semaphore(%arg9 : memref<!tpu.dma_semaphore, #tpu.memory_space<semaphore_mem>>)
      %dma_start3A_595 = arith.constant 0 : i32
      %dma_start3A_596 = arith.constant 0 : i32
      %dma_start3A_597 = arith.constant 0 : i32
      %dma_start3A_598 = arith.constant 0 : i32
      %dma_start3A_599 = tpu.memref_slice %arg7[%dma_start3A_596, %dma_start3A_597, %dma_start3A_598] : memref<2x400x64xf32, #tpu.memory_space<vmem>> -> memref<1x400x64xf32, #tpu.memory_space<vmem>>
      %dma_start3A_600 = tpu.memref_squeeze %dma_start3A_599 : memref<1x400x64xf32, #tpu.memory_space<vmem>> -> memref<400x64xf32, #tpu.memory_space<vmem>>
      %dma_start3A_601 = arith.constant 160 : i32
      %dma_start3A_602 = arith.constant 0 : i32
      %dma_start3A_603 = tpu.memref_slice %dma_start3A_600[%dma_start3A_601, %dma_start3A_602] : memref<400x64xf32, #tpu.memory_space<vmem>> -> memref<80x64xf32, #tpu.memory_space<vmem>>
      %dma_start3A_604 = arith.constant 0 : i32
      %dma_start3A_605 = tpu.memref_slice %arg6[%dma_start3A_595, %dma_start3A_604] : memref<2x400xi32, #tpu.memory_space<vmem>> -> memref<1x400xi32, #tpu.memory_space<vmem>>
      %dma_start3A_606 = tpu.memref_squeeze %dma_start3A_605 : memref<1x400xi32, #tpu.memory_space<vmem>> -> memref<400xi32, #tpu.memory_space<vmem>>
      %dma_start3A_607 = arith.constant 160 : i32
      %dma_start3A_608 = tpu.memref_slice %dma_start3A_606[%dma_start3A_607] : memref<400xi32, #tpu.memory_space<vmem>> -> memref<80xi32, #tpu.memory_space<vmem>>
      %dma_start3A_609 = arith.constant 0 : i32
      %dma_start3A_610 = arith.constant 0 : i32
      %dma_start3A_611 = tpu.memref_slice %arg2[%dma_start3A_609, %dma_start3A_610] : memref<1000000x64xf32, #tpu.memory_space<hbm>> -> memref<1000000x64xf32, #tpu.memory_space<hbm>>
      tpu.enqueue_indirect_dma source(%dma_start3A_611 : memref<1000000x64xf32, #tpu.memory_space<hbm>>) target(%dma_start3A_603 : memref<80x64xf32, #tpu.memory_space<vmem>>) offsets(%dma_start3A_608 : memref<80xi32, #tpu.memory_space<vmem>>) semaphore(%arg9 : memref<!tpu.dma_semaphore, #tpu.memory_space<semaphore_mem>>)
      %dma_start3A_612 = arith.constant 0 : i32
      %dma_start3A_613 = arith.constant 0 : i32
      %dma_start3A_614 = arith.constant 0 : i32
      %dma_start3A_615 = arith.constant 0 : i32
      %dma_start3A_616 = tpu.memref_slice %arg7[%dma_start3A_613, %dma_start3A_614, %dma_start3A_615] : memref<2x400x64xf32, #tpu.memory_space<vmem>> -> memref<1x400x64xf32, #tpu.memory_space<vmem>>
      %dma_start3A_617 = tpu.memref_squeeze %dma_start3A_616 : memref<1x400x64xf32, #tpu.memory_space<vmem>> -> memref<400x64xf32, #tpu.memory_space<vmem>>
      %dma_start3A_618 = arith.constant 240 : i32
      %dma_start3A_619 = arith.constant 0 : i32
      %dma_start3A_620 = tpu.memref_slice %dma_start3A_617[%dma_start3A_618, %dma_start3A_619] : memref<400x64xf32, #tpu.memory_space<vmem>> -> memref<80x64xf32, #tpu.memory_space<vmem>>
      %dma_start3A_621 = arith.constant 0 : i32
      %dma_start3A_622 = tpu.memref_slice %arg6[%dma_start3A_612, %dma_start3A_621] : memref<2x400xi32, #tpu.memory_space<vmem>> -> memref<1x400xi32, #tpu.memory_space<vmem>>
      %dma_start3A_623 = tpu.memref_squeeze %dma_start3A_622 : memref<1x400xi32, #tpu.memory_space<vmem>> -> memref<400xi32, #tpu.memory_space<vmem>>
      %dma_start3A_624 = arith.constant 240 : i32
      %dma_start3A_625 = tpu.memref_slice %dma_start3A_623[%dma_start3A_624] : memref<400xi32, #tpu.memory_space<vmem>> -> memref<80xi32, #tpu.memory_space<vmem>>
      %dma_start3A_626 = arith.constant 0 : i32
      %dma_start3A_627 = arith.constant 0 : i32
      %dma_start3A_628 = tpu.memref_slice %arg2[%dma_start3A_626, %dma_start3A_627] : memref<1000000x64xf32, #tpu.memory_space<hbm>> -> memref<1000000x64xf32, #tpu.memory_space<hbm>>
      tpu.enqueue_indirect_dma source(%dma_start3A_628 : memref<1000000x64xf32, #tpu.memory_space<hbm>>) target(%dma_start3A_620 : memref<80x64xf32, #tpu.memory_space<vmem>>) offsets(%dma_start3A_625 : memref<80xi32, #tpu.memory_space<vmem>>) semaphore(%arg9 : memref<!tpu.dma_semaphore, #tpu.memory_space<semaphore_mem>>)
      %dma_start3A_629 = arith.constant 0 : i32
      %dma_start3A_630 = arith.constant 0 : i32
      %dma_start3A_631 = arith.constant 0 : i32
      %dma_start3A_632 = arith.constant 0 : i32
      %dma_start3A_633 = tpu.memref_slice %arg7[%dma_start3A_630, %dma_start3A_631, %dma_start3A_632] : memref<2x400x64xf32, #tpu.memory_space<vmem>> -> memref<1x400x64xf32, #tpu.memory_space<vmem>>
      %dma_start3A_634 = tpu.memref_squeeze %dma_start3A_633 : memref<1x400x64xf32, #tpu.memory_space<vmem>> -> memref<400x64xf32, #tpu.memory_space<vmem>>
      %dma_start3A_635 = arith.constant 320 : i32
      %dma_start3A_636 = arith.constant 0 : i32
      %dma_start3A_637 = tpu.memref_slice %dma_start3A_634[%dma_start3A_635, %dma_start3A_636] : memref<400x64xf32, #tpu.memory_space<vmem>> -> memref<80x64xf32, #tpu.memory_space<vmem>>
      %dma_start3A_638 = arith.constant 0 : i32
      %dma_start3A_639 = tpu.memref_slice %arg6[%dma_start3A_629, %dma_start3A_638] : memref<2x400xi32, #tpu.memory_space<vmem>> -> memref<1x400xi32, #tpu.memory_space<vmem>>
      %dma_start3A_640 = tpu.memref_squeeze %dma_start3A_639 : memref<1x400xi32, #tpu.memory_space<vmem>> -> memref<400xi32, #tpu.memory_space<vmem>>
      %dma_start3A_641 = arith.constant 320 : i32
      %dma_start3A_642 = tpu.memref_slice %dma_start3A_640[%dma_start3A_641] : memref<400xi32, #tpu.memory_space<vmem>> -> memref<80xi32, #tpu.memory_space<vmem>>
      %dma_start3A_643 = arith.constant 0 : i32
      %dma_start3A_644 = arith.constant 0 : i32
      %dma_start3A_645 = tpu.memref_slice %arg2[%dma_start3A_643, %dma_start3A_644] : memref<1000000x64xf32, #tpu.memory_space<hbm>> -> memref<1000000x64xf32, #tpu.memory_space<hbm>>
      tpu.enqueue_indirect_dma source(%dma_start3A_645 : memref<1000000x64xf32, #tpu.memory_space<hbm>>) target(%dma_start3A_637 : memref<80x64xf32, #tpu.memory_space<vmem>>) offsets(%dma_start3A_642 : memref<80xi32, #tpu.memory_space<vmem>>) semaphore(%arg9 : memref<!tpu.dma_semaphore, #tpu.memory_space<semaphore_mem>>)
      %dma_wait3A_646 = arith.constant 1 : i32
      %dma_wait3A_647 = arith.constant 1 : i32
      %dma_wait3A_648 = arith.constant 0 : i32
      %dma_wait3A_649 = arith.constant 0 : i32
      %dma_wait3A_650 = tpu.memref_slice %arg7[%dma_wait3A_647, %dma_wait3A_648, %dma_wait3A_649] : memref<2x400x64xf32, #tpu.memory_space<vmem>> -> memref<1x400x64xf32, #tpu.memory_space<vmem>>
      %dma_wait3A_651 = tpu.memref_squeeze %dma_wait3A_650 : memref<1x400x64xf32, #tpu.memory_space<vmem>> -> memref<400x64xf32, #tpu.memory_space<vmem>>
      %dma_wait3A_652 = arith.constant 0 : i32
      %dma_wait3A_653 = arith.constant 0 : i32
      %dma_wait3A_654 = tpu.memref_slice %dma_wait3A_651[%dma_wait3A_652, %dma_wait3A_653] : memref<400x64xf32, #tpu.memory_space<vmem>> -> memref<80x64xf32, #tpu.memory_space<vmem>>
      %dma_wait3A_655 = arith.constant 0 : i32
      %dma_wait3A_656 = tpu.memref_slice %arg6[%dma_wait3A_646, %dma_wait3A_655] : memref<2x400xi32, #tpu.memory_space<vmem>> -> memref<1x400xi32, #tpu.memory_space<vmem>>
      %dma_wait3A_657 = tpu.memref_squeeze %dma_wait3A_656 : memref<1x400xi32, #tpu.memory_space<vmem>> -> memref<400xi32, #tpu.memory_space<vmem>>
      %dma_wait3A_658 = arith.constant 0 : i32
      %dma_wait3A_659 = tpu.memref_slice %dma_wait3A_657[%dma_wait3A_658] : memref<400xi32, #tpu.memory_space<vmem>> -> memref<80xi32, #tpu.memory_space<vmem>>
      %dma_wait3A_660 = arith.constant 0 : i32
      %dma_wait3A_661 = arith.constant 0 : i32
      %dma_wait3A_662 = tpu.memref_slice %arg2[%dma_wait3A_660, %dma_wait3A_661] : memref<1000000x64xf32, #tpu.memory_space<hbm>> -> memref<1000000x64xf32, #tpu.memory_space<hbm>>
      tpu.wait_indirect_dma semaphore(%arg10 : memref<!tpu.dma_semaphore, #tpu.memory_space<semaphore_mem>>) src(%dma_wait3A_662 : memref<1000000x64xf32, #tpu.memory_space<hbm>>) dst(%dma_wait3A_654 : memref<80x64xf32, #tpu.memory_space<vmem>>)
      %dma_wait3A_663 = arith.constant 1 : i32
      %dma_wait3A_664 = arith.constant 1 : i32
      %dma_wait3A_665 = arith.constant 0 : i32
      %dma_wait3A_666 = arith.constant 0 : i32
      %dma_wait3A_667 = tpu.memref_slice %arg7[%dma_wait3A_664, %dma_wait3A_665, %dma_wait3A_666] : memref<2x400x64xf32, #tpu.memory_space<vmem>> -> memref<1x400x64xf32, #tpu.memory_space<vmem>>
      %dma_wait3A_668 = tpu.memref_squeeze %dma_wait3A_667 : memref<1x400x64xf32, #tpu.memory_space<vmem>> -> memref<400x64xf32, #tpu.memory_space<vmem>>
      %dma_wait3A_669 = arith.constant 80 : i32
      %dma_wait3A_670 = arith.constant 0 : i32
      %dma_wait3A_671 = tpu.memref_slice %dma_wait3A_668[%dma_wait3A_669, %dma_wait3A_670] : memref<400x64xf32, #tpu.memory_space<vmem>> -> memref<80x64xf32, #tpu.memory_space<vmem>>
      %dma_wait3A_672 = arith.constant 0 : i32
      %dma_wait3A_673 = tpu.memref_slice %arg6[%dma_wait3A_663, %dma_wait3A_672] : memref<2x400xi32, #tpu.memory_space<vmem>> -> memref<1x400xi32, #tpu.memory_space<vmem>>
      %dma_wait3A_674 = tpu.memref_squeeze %dma_wait3A_673 : memref<1x400xi32, #tpu.memory_space<vmem>> -> memref<400xi32, #tpu.memory_space<vmem>>
      %dma_wait3A_675 = arith.constant 80 : i32
      %dma_wait3A_676 = tpu.memref_slice %dma_wait3A_674[%dma_wait3A_675] : memref<400xi32, #tpu.memory_space<vmem>> -> memref<80xi32, #tpu.memory_space<vmem>>
      %dma_wait3A_677 = arith.constant 0 : i32
      %dma_wait3A_678 = arith.constant 0 : i32
      %dma_wait3A_679 = tpu.memref_slice %arg2[%dma_wait3A_677, %dma_wait3A_678] : memref<1000000x64xf32, #tpu.memory_space<hbm>> -> memref<1000000x64xf32, #tpu.memory_space<hbm>>
      tpu.wait_indirect_dma semaphore(%arg10 : memref<!tpu.dma_semaphore, #tpu.memory_space<semaphore_mem>>) src(%dma_wait3A_679 : memref<1000000x64xf32, #tpu.memory_space<hbm>>) dst(%dma_wait3A_671 : memref<80x64xf32, #tpu.memory_space<vmem>>)
      %dma_wait3A_680 = arith.constant 1 : i32
      %dma_wait3A_681 = arith.constant 1 : i32
      %dma_wait3A_682 = arith.constant 0 : i32
      %dma_wait3A_683 = arith.constant 0 : i32
      %dma_wait3A_684 = tpu.memref_slice %arg7[%dma_wait3A_681, %dma_wait3A_682, %dma_wait3A_683] : memref<2x400x64xf32, #tpu.memory_space<vmem>> -> memref<1x400x64xf32, #tpu.memory_space<vmem>>
      %dma_wait3A_685 = tpu.memref_squeeze %dma_wait3A_684 : memref<1x400x64xf32, #tpu.memory_space<vmem>> -> memref<400x64xf32, #tpu.memory_space<vmem>>
      %dma_wait3A_686 = arith.constant 160 : i32
      %dma_wait3A_687 = arith.constant 0 : i32
      %dma_wait3A_688 = tpu.memref_slice %dma_wait3A_685[%dma_wait3A_686, %dma_wait3A_687] : memref<400x64xf32, #tpu.memory_space<vmem>> -> memref<80x64xf32, #tpu.memory_space<vmem>>
      %dma_wait3A_689 = arith.constant 0 : i32
      %dma_wait3A_690 = tpu.memref_slice %arg6[%dma_wait3A_680, %dma_wait3A_689] : memref<2x400xi32, #tpu.memory_space<vmem>> -> memref<1x400xi32, #tpu.memory_space<vmem>>
      %dma_wait3A_691 = tpu.memref_squeeze %dma_wait3A_690 : memref<1x400xi32, #tpu.memory_space<vmem>> -> memref<400xi32, #tpu.memory_space<vmem>>
      %dma_wait3A_692 = arith.constant 160 : i32
      %dma_wait3A_693 = tpu.memref_slice %dma_wait3A_691[%dma_wait3A_692] : memref<400xi32, #tpu.memory_space<vmem>> -> memref<80xi32, #tpu.memory_space<vmem>>
      %dma_wait3A_694 = arith.constant 0 : i32
      %dma_wait3A_695 = arith.constant 0 : i32
      %dma_wait3A_696 = tpu.memref_slice %arg2[%dma_wait3A_694, %dma_wait3A_695] : memref<1000000x64xf32, #tpu.memory_space<hbm>> -> memref<1000000x64xf32, #tpu.memory_space<hbm>>
      tpu.wait_indirect_dma semaphore(%arg10 : memref<!tpu.dma_semaphore, #tpu.memory_space<semaphore_mem>>) src(%dma_wait3A_696 : memref<1000000x64xf32, #tpu.memory_space<hbm>>) dst(%dma_wait3A_688 : memref<80x64xf32, #tpu.memory_space<vmem>>)
      %dma_wait3A_697 = arith.constant 1 : i32
      %dma_wait3A_698 = arith.constant 1 : i32
      %dma_wait3A_699 = arith.constant 0 : i32
      %dma_wait3A_700 = arith.constant 0 : i32
      %dma_wait3A_701 = tpu.memref_slice %arg7[%dma_wait3A_698, %dma_wait3A_699, %dma_wait3A_700] : memref<2x400x64xf32, #tpu.memory_space<vmem>> -> memref<1x400x64xf32, #tpu.memory_space<vmem>>
      %dma_wait3A_702 = tpu.memref_squeeze %dma_wait3A_701 : memref<1x400x64xf32, #tpu.memory_space<vmem>> -> memref<400x64xf32, #tpu.memory_space<vmem>>
      %dma_wait3A_703 = arith.constant 240 : i32
      %dma_wait3A_704 = arith.constant 0 : i32
      %dma_wait3A_705 = tpu.memref_slice %dma_wait3A_702[%dma_wait3A_703, %dma_wait3A_704] : memref<400x64xf32, #tpu.memory_space<vmem>> -> memref<80x64xf32, #tpu.memory_space<vmem>>
      %dma_wait3A_706 = arith.constant 0 : i32
      %dma_wait3A_707 = tpu.memref_slice %arg6[%dma_wait3A_697, %dma_wait3A_706] : memref<2x400xi32, #tpu.memory_space<vmem>> -> memref<1x400xi32, #tpu.memory_space<vmem>>
      %dma_wait3A_708 = tpu.memref_squeeze %dma_wait3A_707 : memref<1x400xi32, #tpu.memory_space<vmem>> -> memref<400xi32, #tpu.memory_space<vmem>>
      %dma_wait3A_709 = arith.constant 240 : i32
      %dma_wait3A_710 = tpu.memref_slice %dma_wait3A_708[%dma_wait3A_709] : memref<400xi32, #tpu.memory_space<vmem>> -> memref<80xi32, #tpu.memory_space<vmem>>
      %dma_wait3A_711 = arith.constant 0 : i32
      %dma_wait3A_712 = arith.constant 0 : i32
      %dma_wait3A_713 = tpu.memref_slice %arg2[%dma_wait3A_711, %dma_wait3A_712] : memref<1000000x64xf32, #tpu.memory_space<hbm>> -> memref<1000000x64xf32, #tpu.memory_space<hbm>>
      tpu.wait_indirect_dma semaphore(%arg10 : memref<!tpu.dma_semaphore, #tpu.memory_space<semaphore_mem>>) src(%dma_wait3A_713 : memref<1000000x64xf32, #tpu.memory_space<hbm>>) dst(%dma_wait3A_705 : memref<80x64xf32, #tpu.memory_space<vmem>>)
      %dma_wait3A_714 = arith.constant 1 : i32
      %dma_wait3A_715 = arith.constant 1 : i32
      %dma_wait3A_716 = arith.constant 0 : i32
      %dma_wait3A_717 = arith.constant 0 : i32
      %dma_wait3A_718 = tpu.memref_slice %arg7[%dma_wait3A_715, %dma_wait3A_716, %dma_wait3A_717] : memref<2x400x64xf32, #tpu.memory_space<vmem>> -> memref<1x400x64xf32, #tpu.memory_space<vmem>>
      %dma_wait3A_719 = tpu.memref_squeeze %dma_wait3A_718 : memref<1x400x64xf32, #tpu.memory_space<vmem>> -> memref<400x64xf32, #tpu.memory_space<vmem>>
      %dma_wait3A_720 = arith.constant 320 : i32
      %dma_wait3A_721 = arith.constant 0 : i32
      %dma_wait3A_722 = tpu.memref_slice %dma_wait3A_719[%dma_wait3A_720, %dma_wait3A_721] : memref<400x64xf32, #tpu.memory_space<vmem>> -> memref<80x64xf32, #tpu.memory_space<vmem>>
      %dma_wait3A_723 = arith.constant 0 : i32
      %dma_wait3A_724 = tpu.memref_slice %arg6[%dma_wait3A_714, %dma_wait3A_723] : memref<2x400xi32, #tpu.memory_space<vmem>> -> memref<1x400xi32, #tpu.memory_space<vmem>>
      %dma_wait3A_725 = tpu.memref_squeeze %dma_wait3A_724 : memref<1x400xi32, #tpu.memory_space<vmem>> -> memref<400xi32, #tpu.memory_space<vmem>>
      %dma_wait3A_726 = arith.constant 320 : i32
      %dma_wait3A_727 = tpu.memref_slice %dma_wait3A_725[%dma_wait3A_726] : memref<400xi32, #tpu.memory_space<vmem>> -> memref<80xi32, #tpu.memory_space<vmem>>
      %dma_wait3A_728 = arith.constant 0 : i32
      %dma_wait3A_729 = arith.constant 0 : i32
      %dma_wait3A_730 = tpu.memref_slice %arg2[%dma_wait3A_728, %dma_wait3A_729] : memref<1000000x64xf32, #tpu.memory_space<hbm>> -> memref<1000000x64xf32, #tpu.memory_space<hbm>>
      tpu.wait_indirect_dma semaphore(%arg10 : memref<!tpu.dma_semaphore, #tpu.memory_space<semaphore_mem>>) src(%dma_wait3A_730 : memref<1000000x64xf32, #tpu.memory_space<hbm>>) dst(%dma_wait3A_722 : memref<80x64xf32, #tpu.memory_space<vmem>>)
      %add3A_731 = arith.constant 400 : i32
      %add3A_732 = arith.addi %add3A_376, %add3A_731 : i32
      %scan3A_733 = arith.constant 0 : i32
      %scan3A_734 = arith.constant 0 : i32
      %scan3A_735 = arith.constant 200 : i32
      %scan3A_736 = arith.addi %scan3A_734, %scan3A_735 : i32
      %scan3A_737 = arith.constant 1 : i32
      %scan3A_738 = scf.for %scan3A_742 = %scan3A_734 to %scan3A_736 step %scan3A_737 iter_args(%scan3A_743 = %scan3A_733) -> (i32)  : i32 {
        %get3A = arith.index_cast %scan3A_742 : i32 to index
        %get3A_744 = arith.constant 0 : index
        %get3A_745 = tpu.vector_load %arg8[%get3A, %get3A_744] {strides = array<i32>} : memref<200x64xf32, #tpu.memory_space<vmem>>, vector<1x16xf32>,
        %get3A_746 = vector.shape_cast %get3A_745 : vector<1x16xf32> to vector<16xf32>
        %add3A_747 = arith.constant 0 : i32
        %add3A_748 = arith.addi %add3A_747, %scan3A_742 : i32
        %swap3A = arith.constant 1 : i32
        %swap3A_749 = arith.index_cast %swap3A : i32 to index
        %swap3A_750 = arith.index_cast %add3A_748 : i32 to index
        %swap3A_751 = arith.constant 0 : index
        %swap3A_752 = tpu.vector_load %arg7[%swap3A_749, %swap3A_750, %swap3A_751] {strides = array<i32>} : memref<2x400x64xf32, #tpu.memory_space<vmem>>, vector<1x1x16xf32>,
        %swap3A_753 = vector.shape_cast %swap3A_752 : vector<1x1x16xf32> to vector<16xf32>
        %swap3A_754 = vector.shape_cast %get3A_746 : vector<16xf32> to vector<1x1x16xf32>
        tpu.vector_store %arg7[%swap3A_749, %swap3A_750, %swap3A_751], %swap3A_754 {add = true, strides = array<i32>} : memref<2x400x64xf32, #tpu.memory_space<vmem>>, vector<1x1x16xf32>,
        %add3A_755 = arith.constant 200 : i32
        %add3A_756 = arith.addi %add3A_755, %scan3A_742 : i32
        %swap3A_757 = arith.constant 1 : i32
        %swap3A_758 = arith.index_cast %swap3A_757 : i32 to index
        %swap3A_759 = arith.index_cast %add3A_756 : i32 to index
        %swap3A_760 = arith.constant 0 : index
        %swap3A_761 = tpu.vector_load %arg7[%swap3A_758, %swap3A_759, %swap3A_760] {strides = array<i32>} : memref<2x400x64xf32, #tpu.memory_space<vmem>>, vector<1x1x16xf32>,
        %swap3A_762 = vector.shape_cast %swap3A_761 : vector<1x1x16xf32> to vector<16xf32>
        %swap3A_763 = vector.shape_cast %get3A_746 : vector<16xf32> to vector<1x1x16xf32>
        tpu.vector_store %arg7[%swap3A_758, %swap3A_759, %swap3A_760], %swap3A_763 {add = true, strides = array<i32>} : memref<2x400x64xf32, #tpu.memory_space<vmem>>, vector<1x1x16xf32>,
        %get3A_764 = arith.index_cast %scan3A_742 : i32 to index
        %get3A_765 = arith.constant 16 : index
        %get3A_766 = tpu.vector_load %arg8[%get3A_764, %get3A_765] {strides = array<i32>} : memref<200x64xf32, #tpu.memory_space<vmem>>, vector<1x16xf32>,
        %get3A_767 = vector.shape_cast %get3A_766 : vector<1x16xf32> to vector<16xf32>
        %add3A_768 = arith.constant 0 : i32
        %add3A_769 = arith.addi %add3A_768, %scan3A_742 : i32
        %swap3A_770 = arith.constant 1 : i32
        %swap3A_771 = arith.index_cast %swap3A_770 : i32 to index
        %swap3A_772 = arith.index_cast %add3A_769 : i32 to index
        %swap3A_773 = arith.constant 16 : index
        %swap3A_774 = tpu.vector_load %arg7[%swap3A_771, %swap3A_772, %swap3A_773] {strides = array<i32>} : memref<2x400x64xf32, #tpu.memory_space<vmem>>, vector<1x1x16xf32>,
        %swap3A_775 = vector.shape_cast %swap3A_774 : vector<1x1x16xf32> to vector<16xf32>
        %swap3A_776 = vector.shape_cast %get3A_767 : vector<16xf32> to vector<1x1x16xf32>
        tpu.vector_store %arg7[%swap3A_771, %swap3A_772, %swap3A_773], %swap3A_776 {add = true, strides = array<i32>} : memref<2x400x64xf32, #tpu.memory_space<vmem>>, vector<1x1x16xf32>,
        %add3A_777 = arith.constant 200 : i32
        %add3A_778 = arith.addi %add3A_777, %scan3A_742 : i32
        %swap3A_779 = arith.constant 1 : i32
        %swap3A_780 = arith.index_cast %swap3A_779 : i32 to index
        %swap3A_781 = arith.index_cast %add3A_778 : i32 to index
        %swap3A_782 = arith.constant 16 : index
        %swap3A_783 = tpu.vector_load %arg7[%swap3A_780, %swap3A_781, %swap3A_782] {strides = array<i32>} : memref<2x400x64xf32, #tpu.memory_space<vmem>>, vector<1x1x16xf32>,
        %swap3A_784 = vector.shape_cast %swap3A_783 : vector<1x1x16xf32> to vector<16xf32>
        %swap3A_785 = vector.shape_cast %get3A_767 : vector<16xf32> to vector<1x1x16xf32>
        tpu.vector_store %arg7[%swap3A_780, %swap3A_781, %swap3A_782], %swap3A_785 {add = true, strides = array<i32>} : memref<2x400x64xf32, #tpu.memory_space<vmem>>, vector<1x1x16xf32>,
        %get3A_786 = arith.index_cast %scan3A_742 : i32 to index
        %get3A_787 = arith.constant 32 : index
        %get3A_788 = tpu.vector_load %arg8[%get3A_786, %get3A_787] {strides = array<i32>} : memref<200x64xf32, #tpu.memory_space<vmem>>, vector<1x16xf32>,
        %get3A_789 = vector.shape_cast %get3A_788 : vector<1x16xf32> to vector<16xf32>
        %add3A_790 = arith.constant 0 : i32
        %add3A_791 = arith.addi %add3A_790, %scan3A_742 : i32
        %swap3A_792 = arith.constant 1 : i32
        %swap3A_793 = arith.index_cast %swap3A_792 : i32 to index
        %swap3A_794 = arith.index_cast %add3A_791 : i32 to index
        %swap3A_795 = arith.constant 32 : index
        %swap3A_796 = tpu.vector_load %arg7[%swap3A_793, %swap3A_794, %swap3A_795] {strides = array<i32>} : memref<2x400x64xf32, #tpu.memory_space<vmem>>, vector<1x1x16xf32>,
        %swap3A_797 = vector.shape_cast %swap3A_796 : vector<1x1x16xf32> to vector<16xf32>
        %swap3A_798 = vector.shape_cast %get3A_789 : vector<16xf32> to vector<1x1x16xf32>
        tpu.vector_store %arg7[%swap3A_793, %swap3A_794, %swap3A_795], %swap3A_798 {add = true, strides = array<i32>} : memref<2x400x64xf32, #tpu.memory_space<vmem>>, vector<1x1x16xf32>,
        %add3A_799 = arith.constant 200 : i32
        %add3A_800 = arith.addi %add3A_799, %scan3A_742 : i32
        %swap3A_801 = arith.constant 1 : i32
        %swap3A_802 = arith.index_cast %swap3A_801 : i32 to index
        %swap3A_803 = arith.index_cast %add3A_800 : i32 to index
        %swap3A_804 = arith.constant 32 : index
        %swap3A_805 = tpu.vector_load %arg7[%swap3A_802, %swap3A_803, %swap3A_804] {strides = array<i32>} : memref<2x400x64xf32, #tpu.memory_space<vmem>>, vector<1x1x16xf32>,
        %swap3A_806 = vector.shape_cast %swap3A_805 : vector<1x1x16xf32> to vector<16xf32>
        %swap3A_807 = vector.shape_cast %get3A_789 : vector<16xf32> to vector<1x1x16xf32>
        tpu.vector_store %arg7[%swap3A_802, %swap3A_803, %swap3A_804], %swap3A_807 {add = true, strides = array<i32>} : memref<2x400x64xf32, #tpu.memory_space<vmem>>, vector<1x1x16xf32>,
        %get3A_808 = arith.index_cast %scan3A_742 : i32 to index
        %get3A_809 = arith.constant 48 : index
        %get3A_810 = tpu.vector_load %arg8[%get3A_808, %get3A_809] {strides = array<i32>} : memref<200x64xf32, #tpu.memory_space<vmem>>, vector<1x16xf32>,
        %get3A_811 = vector.shape_cast %get3A_810 : vector<1x16xf32> to vector<16xf32>
        %add3A_812 = arith.constant 0 : i32
        %add3A_813 = arith.addi %add3A_812, %scan3A_742 : i32
        %swap3A_814 = arith.constant 1 : i32
        %swap3A_815 = arith.index_cast %swap3A_814 : i32 to index
        %swap3A_816 = arith.index_cast %add3A_813 : i32 to index
        %swap3A_817 = arith.constant 48 : index
        %swap3A_818 = tpu.vector_load %arg7[%swap3A_815, %swap3A_816, %swap3A_817] {strides = array<i32>} : memref<2x400x64xf32, #tpu.memory_space<vmem>>, vector<1x1x16xf32>,
        %swap3A_819 = vector.shape_cast %swap3A_818 : vector<1x1x16xf32> to vector<16xf32>
        %swap3A_820 = vector.shape_cast %get3A_811 : vector<16xf32> to vector<1x1x16xf32>
        tpu.vector_store %arg7[%swap3A_815, %swap3A_816, %swap3A_817], %swap3A_820 {add = true, strides = array<i32>} : memref<2x400x64xf32, #tpu.memory_space<vmem>>, vector<1x1x16xf32>,
        %add3A_821 = arith.constant 200 : i32
        %add3A_822 = arith.addi %add3A_821, %scan3A_742 : i32
        %swap3A_823 = arith.constant 1 : i32
        %swap3A_824 = arith.index_cast %swap3A_823 : i32 to index
        %swap3A_825 = arith.index_cast %add3A_822 : i32 to index
        %swap3A_826 = arith.constant 48 : index
        %swap3A_827 = tpu.vector_load %arg7[%swap3A_824, %swap3A_825, %swap3A_826] {strides = array<i32>} : memref<2x400x64xf32, #tpu.memory_space<vmem>>, vector<1x1x16xf32>,
        %swap3A_828 = vector.shape_cast %swap3A_827 : vector<1x1x16xf32> to vector<16xf32>
        %swap3A_829 = vector.shape_cast %get3A_811 : vector<16xf32> to vector<1x1x16xf32>
        tpu.vector_store %arg7[%swap3A_824, %swap3A_825, %swap3A_826], %swap3A_829 {add = true, strides = array<i32>} : memref<2x400x64xf32, #tpu.memory_space<vmem>>, vector<1x1x16xf32>,
        %scan3A_830 = arith.constant 0 : i32
        scf.yield %scan3A_830 : i32
      }
      %scan3A_739 = arith.constant 200 : i32
      %run_scoped3A_740 = arith.constant 1 : i32
      "tpu.region"() ({
        %run_scoped3A_742 = tpu.sem_alloc : memref<!tpu.dma_semaphore, #tpu.memory_space<semaphore_mem>>
        %dma_start3A_743 = arith.constant 0 : i32
        %dma_start3A_744 = arith.constant 0 : i32
        %dma_start3A_745 = tpu.memref_slice %arg7[%run_scoped3A_740, %dma_start3A_743, %dma_start3A_744] : memref<2x400x64xf32, #tpu.memory_space<vmem>> -> memref<1x400x64xf32, #tpu.memory_space<vmem>>
        %dma_start3A_746 = tpu.memref_squeeze %dma_start3A_745 : memref<1x400x64xf32, #tpu.memory_space<vmem>> -> memref<400x64xf32, #tpu.memory_space<vmem>>
        %dma_start3A_747 = arith.constant 0 : i32
        %dma_start3A_748 = tpu.memref_slice %arg5[%add3A_732, %dma_start3A_747] : memref<819200x128xf32, #tpu.memory_space<hbm>> -> memref<400x128xf32, #tpu.memory_space<hbm>>
        %dma_start3A_749 = arith.constant 0 : i32
        %dma_start3A_750 = arith.constant 0 : i32
        %dma_start3A_751 = tpu.memref_slice %dma_start3A_748[%dma_start3A_749, %dma_start3A_750] : memref<400x128xf32, #tpu.memory_space<hbm>> -> memref<400x64xf32, #tpu.memory_space<hbm>>
        %dma_start3A_752 = arith.constant 0 : i32
        %dma_start3A_753 = tpu.memref_slice %arg5[%add3A_732, %dma_start3A_752] : memref<819200x128xf32, #tpu.memory_space<hbm>> -> memref<400x128xf32, #tpu.memory_space<hbm>>
        %dma_start3A_754 = arith.constant 0 : i32
        %dma_start3A_755 = arith.constant 0 : i32
        %dma_start3A_756 = tpu.memref_slice %dma_start3A_753[%dma_start3A_754, %dma_start3A_755] : memref<400x128xf32, #tpu.memory_space<hbm>> -> memref<400x64xf32, #tpu.memory_space<hbm>>
        %dma_start3A_757 = arith.constant 0 : i32
        %dma_start3A_758 = arith.constant 0 : i32
        %dma_start3A_759 = tpu.memref_slice %arg7[%run_scoped3A_740, %dma_start3A_757, %dma_start3A_758] : memref<2x400x64xf32, #tpu.memory_space<vmem>> -> memref<1x400x64xf32, #tpu.memory_space<vmem>>
        %dma_start3A_760 = tpu.memref_squeeze %dma_start3A_759 : memref<1x400x64xf32, #tpu.memory_space<vmem>> -> memref<400x64xf32, #tpu.memory_space<vmem>>
        tpu.enqueue_dma source(%dma_start3A_760 : memref<400x64xf32, #tpu.memory_space<vmem>>) target(%dma_start3A_756 : memref<400x64xf32, #tpu.memory_space<hbm>>) target_semaphore(%run_scoped3A_742 : memref<!tpu.dma_semaphore, #tpu.memory_space<semaphore_mem>>)
        %dma_wait3A_761 = arith.constant 0 : i32
        %dma_wait3A_762 = arith.constant 0 : i32
        %dma_wait3A_763 = tpu.memref_slice %arg7[%run_scoped3A_740, %dma_wait3A_761, %dma_wait3A_762] : memref<2x400x64xf32, #tpu.memory_space<vmem>> -> memref<1x400x64xf32, #tpu.memory_space<vmem>>
        %dma_wait3A_764 = tpu.memref_squeeze %dma_wait3A_763 : memref<1x400x64xf32, #tpu.memory_space<vmem>> -> memref<400x64xf32, #tpu.memory_space<vmem>>
        %dma_wait3A_765 = arith.constant 0 : i32
        %dma_wait3A_766 = tpu.memref_slice %arg5[%add3A_732, %dma_wait3A_765] : memref<819200x128xf32, #tpu.memory_space<hbm>> -> memref<400x128xf32, #tpu.memory_space<hbm>>
        %dma_wait3A_767 = arith.constant 0 : i32
        %dma_wait3A_768 = arith.constant 0 : i32
        %dma_wait3A_769 = tpu.memref_slice %dma_wait3A_766[%dma_wait3A_767, %dma_wait3A_768] : memref<400x128xf32, #tpu.memory_space<hbm>> -> memref<400x64xf32, #tpu.memory_space<hbm>>
        %dma_wait3A_770 = arith.constant 0 : i32
        %dma_wait3A_771 = tpu.memref_slice %arg5[%add3A_732, %dma_wait3A_770] : memref<819200x128xf32, #tpu.memory_space<hbm>> -> memref<400x128xf32, #tpu.memory_space<hbm>>
        %dma_wait3A_772 = arith.constant 0 : i32
        %dma_wait3A_773 = arith.constant 0 : i32
        %dma_wait3A_774 = tpu.memref_slice %dma_wait3A_771[%dma_wait3A_772, %dma_wait3A_773] : memref<400x128xf32, #tpu.memory_space<hbm>> -> memref<400x64xf32, #tpu.memory_space<hbm>>
        %dma_wait3A_775 = arith.constant 0 : i32
        %dma_wait3A_776 = arith.constant 0 : i32
        %dma_wait3A_777 = tpu.memref_slice %arg7[%run_scoped3A_740, %dma_wait3A_775, %dma_wait3A_776] : memref<2x400x64xf32, #tpu.memory_space<vmem>> -> memref<1x400x64xf32, #tpu.memory_space<vmem>>
        %dma_wait3A_778 = tpu.memref_squeeze %dma_wait3A_777 : memref<1x400x64xf32, #tpu.memory_space<vmem>> -> memref<400x64xf32, #tpu.memory_space<vmem>>
        tpu.wait_dma2 semaphore(%run_scoped3A_742 : memref<!tpu.dma_semaphore, #tpu.memory_space<semaphore_mem>>) src(%dma_wait3A_778 : memref<400x64xf32, #tpu.memory_space<vmem>>) dst(%dma_wait3A_774 : memref<400x64xf32, #tpu.memory_space<hbm>>)
        tpu.yield
      }) : () -> ()
      %scan3A_741 = arith.constant 0 : i32
      scf.yield %scan3A_741 : i32
    }
    %scan3A_92 = arith.constant 31 : i32
    %add3A_93 = arith.constant 24800 : i32
    %add3A_94 = arith.addi %mul3A_2, %add3A_93 : i32
    %add3A_95 = arith.constant 400 : i32
    %add3A_96 = arith.addi %add3A_94, %add3A_95 : i32
    %run_scoped3A_97 = arith.constant 1 : i32
    "tpu.region"() ({
      %run_scoped3A_370 = tpu.sem_alloc : memref<!tpu.dma_semaphore, #tpu.memory_space<semaphore_mem>>
      %dma_start3A_371 = arith.constant 0 : i32
      %dma_start3A_372 = tpu.memref_slice %arg6[%run_scoped3A_97, %dma_start3A_371] : memref<2x400xi32, #tpu.memory_space<vmem>> -> memref<1x400xi32, #tpu.memory_space<vmem>>
      %dma_start3A_373 = tpu.memref_squeeze %dma_start3A_372 : memref<1x400xi32, #tpu.memory_space<vmem>> -> memref<400xi32, #tpu.memory_space<vmem>>
      %dma_start3A_374 = tpu.memref_slice %arg3[%add3A_96] : memref<819200xi32, #tpu.memory_space<hbm>> -> memref<400xi32, #tpu.memory_space<hbm>>
      %dma_start3A_375 = arith.constant 0 : i32
      %dma_start3A_376 = tpu.memref_slice %arg6[%run_scoped3A_97, %dma_start3A_375] : memref<2x400xi32, #tpu.memory_space<vmem>> -> memref<1x400xi32, #tpu.memory_space<vmem>>
      %dma_start3A_377 = tpu.memref_squeeze %dma_start3A_376 : memref<1x400xi32, #tpu.memory_space<vmem>> -> memref<400xi32, #tpu.memory_space<vmem>>
      %dma_start3A_378 = tpu.memref_slice %arg3[%add3A_96] : memref<819200xi32, #tpu.memory_space<hbm>> -> memref<400xi32, #tpu.memory_space<hbm>>
      tpu.enqueue_dma source(%dma_start3A_378 : memref<400xi32, #tpu.memory_space<hbm>>) target(%dma_start3A_377 : memref<400xi32, #tpu.memory_space<vmem>>) target_semaphore(%run_scoped3A_370 : memref<!tpu.dma_semaphore, #tpu.memory_space<semaphore_mem>>)
      %dma_wait3A_379 = arith.constant 0 : i32
      %dma_wait3A_380 = tpu.memref_slice %arg6[%run_scoped3A_97, %dma_wait3A_379] : memref<2x400xi32, #tpu.memory_space<vmem>> -> memref<1x400xi32, #tpu.memory_space<vmem>>
      %dma_wait3A_381 = tpu.memref_squeeze %dma_wait3A_380 : memref<1x400xi32, #tpu.memory_space<vmem>> -> memref<400xi32, #tpu.memory_space<vmem>>
      %dma_wait3A_382 = tpu.memref_slice %arg3[%add3A_96] : memref<819200xi32, #tpu.memory_space<hbm>> -> memref<400xi32, #tpu.memory_space<hbm>>
      %dma_wait3A_383 = arith.constant 0 : i32
      %dma_wait3A_384 = tpu.memref_slice %arg6[%run_scoped3A_97, %dma_wait3A_383] : memref<2x400xi32, #tpu.memory_space<vmem>> -> memref<1x400xi32, #tpu.memory_space<vmem>>
      %dma_wait3A_385 = tpu.memref_squeeze %dma_wait3A_384 : memref<1x400xi32, #tpu.memory_space<vmem>> -> memref<400xi32, #tpu.memory_space<vmem>>
      %dma_wait3A_386 = tpu.memref_slice %arg3[%add3A_96] : memref<819200xi32, #tpu.memory_space<hbm>> -> memref<400xi32, #tpu.memory_space<hbm>>
      tpu.wait_dma2 semaphore(%run_scoped3A_370 : memref<!tpu.dma_semaphore, #tpu.memory_space<semaphore_mem>>) src(%dma_wait3A_386 : memref<400xi32, #tpu.memory_space<hbm>>) dst(%dma_wait3A_385 : memref<400xi32, #tpu.memory_space<vmem>>)
      tpu.yield
    }) : () -> ()
    %dma_start3A_98 = arith.constant 1 : i32
    %dma_start3A_99 = arith.constant 1 : i32
    %dma_start3A_100 = arith.constant 0 : i32
    %dma_start3A_101 = arith.constant 0 : i32
    %dma_start3A_102 = tpu.memref_slice %arg7[%dma_start3A_99, %dma_start3A_100, %dma_start3A_101] : memref<2x400x64xf32, #tpu.memory_space<vmem>> -> memref<1x400x64xf32, #tpu.memory_space<vmem>>
    %dma_start3A_103 = tpu.memref_squeeze %dma_start3A_102 : memref<1x400x64xf32, #tpu.memory_space<vmem>> -> memref<400x64xf32, #tpu.memory_space<vmem>>
    %dma_start3A_104 = arith.constant 0 : i32
    %dma_start3A_105 = arith.constant 0 : i32
    %dma_start3A_106 = tpu.memref_slice %dma_start3A_103[%dma_start3A_104, %dma_start3A_105] : memref<400x64xf32, #tpu.memory_space<vmem>> -> memref<80x64xf32, #tpu.memory_space<vmem>>
    %dma_start3A_107 = arith.constant 0 : i32
    %dma_start3A_108 = tpu.memref_slice %arg6[%dma_start3A_98, %dma_start3A_107] : memref<2x400xi32, #tpu.memory_space<vmem>> -> memref<1x400xi32, #tpu.memory_space<vmem>>
    %dma_start3A_109 = tpu.memref_squeeze %dma_start3A_108 : memref<1x400xi32, #tpu.memory_space<vmem>> -> memref<400xi32, #tpu.memory_space<vmem>>
    %dma_start3A_110 = arith.constant 0 : i32
    %dma_start3A_111 = tpu.memref_slice %dma_start3A_109[%dma_start3A_110] : memref<400xi32, #tpu.memory_space<vmem>> -> memref<80xi32, #tpu.memory_space<vmem>>
    %dma_start3A_112 = arith.constant 0 : i32
    %dma_start3A_113 = arith.constant 0 : i32
    %dma_start3A_114 = tpu.memref_slice %arg2[%dma_start3A_112, %dma_start3A_113] : memref<1000000x64xf32, #tpu.memory_space<hbm>> -> memref<1000000x64xf32, #tpu.memory_space<hbm>>
    tpu.enqueue_indirect_dma source(%dma_start3A_114 : memref<1000000x64xf32, #tpu.memory_space<hbm>>) target(%dma_start3A_106 : memref<80x64xf32, #tpu.memory_space<vmem>>) offsets(%dma_start3A_111 : memref<80xi32, #tpu.memory_space<vmem>>) semaphore(%arg10 : memref<!tpu.dma_semaphore, #tpu.memory_space<semaphore_mem>>)
    %dma_start3A_115 = arith.constant 1 : i32
    %dma_start3A_116 = arith.constant 1 : i32
    %dma_start3A_117 = arith.constant 0 : i32
    %dma_start3A_118 = arith.constant 0 : i32
    %dma_start3A_119 = tpu.memref_slice %arg7[%dma_start3A_116, %dma_start3A_117, %dma_start3A_118] : memref<2x400x64xf32, #tpu.memory_space<vmem>> -> memref<1x400x64xf32, #tpu.memory_space<vmem>>
    %dma_start3A_120 = tpu.memref_squeeze %dma_start3A_119 : memref<1x400x64xf32, #tpu.memory_space<vmem>> -> memref<400x64xf32, #tpu.memory_space<vmem>>
    %dma_start3A_121 = arith.constant 80 : i32
    %dma_start3A_122 = arith.constant 0 : i32
    %dma_start3A_123 = tpu.memref_slice %dma_start3A_120[%dma_start3A_121, %dma_start3A_122] : memref<400x64xf32, #tpu.memory_space<vmem>> -> memref<80x64xf32, #tpu.memory_space<vmem>>
    %dma_start3A_124 = arith.constant 0 : i32
    %dma_start3A_125 = tpu.memref_slice %arg6[%dma_start3A_115, %dma_start3A_124] : memref<2x400xi32, #tpu.memory_space<vmem>> -> memref<1x400xi32, #tpu.memory_space<vmem>>
    %dma_start3A_126 = tpu.memref_squeeze %dma_start3A_125 : memref<1x400xi32, #tpu.memory_space<vmem>> -> memref<400xi32, #tpu.memory_space<vmem>>
    %dma_start3A_127 = arith.constant 80 : i32
    %dma_start3A_128 = tpu.memref_slice %dma_start3A_126[%dma_start3A_127] : memref<400xi32, #tpu.memory_space<vmem>> -> memref<80xi32, #tpu.memory_space<vmem>>
    %dma_start3A_129 = arith.constant 0 : i32
    %dma_start3A_130 = arith.constant 0 : i32
    %dma_start3A_131 = tpu.memref_slice %arg2[%dma_start3A_129, %dma_start3A_130] : memref<1000000x64xf32, #tpu.memory_space<hbm>> -> memref<1000000x64xf32, #tpu.memory_space<hbm>>
    tpu.enqueue_indirect_dma source(%dma_start3A_131 : memref<1000000x64xf32, #tpu.memory_space<hbm>>) target(%dma_start3A_123 : memref<80x64xf32, #tpu.memory_space<vmem>>) offsets(%dma_start3A_128 : memref<80xi32, #tpu.memory_space<vmem>>) semaphore(%arg10 : memref<!tpu.dma_semaphore, #tpu.memory_space<semaphore_mem>>)
    %dma_start3A_132 = arith.constant 1 : i32
    %dma_start3A_133 = arith.constant 1 : i32
    %dma_start3A_134 = arith.constant 0 : i32
    %dma_start3A_135 = arith.constant 0 : i32
    %dma_start3A_136 = tpu.memref_slice %arg7[%dma_start3A_133, %dma_start3A_134, %dma_start3A_135] : memref<2x400x64xf32, #tpu.memory_space<vmem>> -> memref<1x400x64xf32, #tpu.memory_space<vmem>>
    %dma_start3A_137 = tpu.memref_squeeze %dma_start3A_136 : memref<1x400x64xf32, #tpu.memory_space<vmem>> -> memref<400x64xf32, #tpu.memory_space<vmem>>
    %dma_start3A_138 = arith.constant 160 : i32
    %dma_start3A_139 = arith.constant 0 : i32
    %dma_start3A_140 = tpu.memref_slice %dma_start3A_137[%dma_start3A_138, %dma_start3A_139] : memref<400x64xf32, #tpu.memory_space<vmem>> -> memref<80x64xf32, #tpu.memory_space<vmem>>
    %dma_start3A_141 = arith.constant 0 : i32
    %dma_start3A_142 = tpu.memref_slice %arg6[%dma_start3A_132, %dma_start3A_141] : memref<2x400xi32, #tpu.memory_space<vmem>> -> memref<1x400xi32, #tpu.memory_space<vmem>>
    %dma_start3A_143 = tpu.memref_squeeze %dma_start3A_142 : memref<1x400xi32, #tpu.memory_space<vmem>> -> memref<400xi32, #tpu.memory_space<vmem>>
    %dma_start3A_144 = arith.constant 160 : i32
    %dma_start3A_145 = tpu.memref_slice %dma_start3A_143[%dma_start3A_144] : memref<400xi32, #tpu.memory_space<vmem>> -> memref<80xi32, #tpu.memory_space<vmem>>
    %dma_start3A_146 = arith.constant 0 : i32
    %dma_start3A_147 = arith.constant 0 : i32
    %dma_start3A_148 = tpu.memref_slice %arg2[%dma_start3A_146, %dma_start3A_147] : memref<1000000x64xf32, #tpu.memory_space<hbm>> -> memref<1000000x64xf32, #tpu.memory_space<hbm>>
    tpu.enqueue_indirect_dma source(%dma_start3A_148 : memref<1000000x64xf32, #tpu.memory_space<hbm>>) target(%dma_start3A_140 : memref<80x64xf32, #tpu.memory_space<vmem>>) offsets(%dma_start3A_145 : memref<80xi32, #tpu.memory_space<vmem>>) semaphore(%arg10 : memref<!tpu.dma_semaphore, #tpu.memory_space<semaphore_mem>>)
    %dma_start3A_149 = arith.constant 1 : i32
    %dma_start3A_150 = arith.constant 1 : i32
    %dma_start3A_151 = arith.constant 0 : i32
    %dma_start3A_152 = arith.constant 0 : i32
    %dma_start3A_153 = tpu.memref_slice %arg7[%dma_start3A_150, %dma_start3A_151, %dma_start3A_152] : memref<2x400x64xf32, #tpu.memory_space<vmem>> -> memref<1x400x64xf32, #tpu.memory_space<vmem>>
    %dma_start3A_154 = tpu.memref_squeeze %dma_start3A_153 : memref<1x400x64xf32, #tpu.memory_space<vmem>> -> memref<400x64xf32, #tpu.memory_space<vmem>>
    %dma_start3A_155 = arith.constant 240 : i32
    %dma_start3A_156 = arith.constant 0 : i32
    %dma_start3A_157 = tpu.memref_slice %dma_start3A_154[%dma_start3A_155, %dma_start3A_156] : memref<400x64xf32, #tpu.memory_space<vmem>> -> memref<80x64xf32, #tpu.memory_space<vmem>>
    %dma_start3A_158 = arith.constant 0 : i32
    %dma_start3A_159 = tpu.memref_slice %arg6[%dma_start3A_149, %dma_start3A_158] : memref<2x400xi32, #tpu.memory_space<vmem>> -> memref<1x400xi32, #tpu.memory_space<vmem>>
    %dma_start3A_160 = tpu.memref_squeeze %dma_start3A_159 : memref<1x400xi32, #tpu.memory_space<vmem>> -> memref<400xi32, #tpu.memory_space<vmem>>
    %dma_start3A_161 = arith.constant 240 : i32
    %dma_start3A_162 = tpu.memref_slice %dma_start3A_160[%dma_start3A_161] : memref<400xi32, #tpu.memory_space<vmem>> -> memref<80xi32, #tpu.memory_space<vmem>>
    %dma_start3A_163 = arith.constant 0 : i32
    %dma_start3A_164 = arith.constant 0 : i32
    %dma_start3A_165 = tpu.memref_slice %arg2[%dma_start3A_163, %dma_start3A_164] : memref<1000000x64xf32, #tpu.memory_space<hbm>> -> memref<1000000x64xf32, #tpu.memory_space<hbm>>
    tpu.enqueue_indirect_dma source(%dma_start3A_165 : memref<1000000x64xf32, #tpu.memory_space<hbm>>) target(%dma_start3A_157 : memref<80x64xf32, #tpu.memory_space<vmem>>) offsets(%dma_start3A_162 : memref<80xi32, #tpu.memory_space<vmem>>) semaphore(%arg10 : memref<!tpu.dma_semaphore, #tpu.memory_space<semaphore_mem>>)
    %dma_start3A_166 = arith.constant 1 : i32
    %dma_start3A_167 = arith.constant 1 : i32
    %dma_start3A_168 = arith.constant 0 : i32
    %dma_start3A_169 = arith.constant 0 : i32
    %dma_start3A_170 = tpu.memref_slice %arg7[%dma_start3A_167, %dma_start3A_168, %dma_start3A_169] : memref<2x400x64xf32, #tpu.memory_space<vmem>> -> memref<1x400x64xf32, #tpu.memory_space<vmem>>
    %dma_start3A_171 = tpu.memref_squeeze %dma_start3A_170 : memref<1x400x64xf32, #tpu.memory_space<vmem>> -> memref<400x64xf32, #tpu.memory_space<vmem>>
    %dma_start3A_172 = arith.constant 320 : i32
    %dma_start3A_173 = arith.constant 0 : i32
    %dma_start3A_174 = tpu.memref_slice %dma_start3A_171[%dma_start3A_172, %dma_start3A_173] : memref<400x64xf32, #tpu.memory_space<vmem>> -> memref<80x64xf32, #tpu.memory_space<vmem>>
    %dma_start3A_175 = arith.constant 0 : i32
    %dma_start3A_176 = tpu.memref_slice %arg6[%dma_start3A_166, %dma_start3A_175] : memref<2x400xi32, #tpu.memory_space<vmem>> -> memref<1x400xi32, #tpu.memory_space<vmem>>
    %dma_start3A_177 = tpu.memref_squeeze %dma_start3A_176 : memref<1x400xi32, #tpu.memory_space<vmem>> -> memref<400xi32, #tpu.memory_space<vmem>>
    %dma_start3A_178 = arith.constant 320 : i32
    %dma_start3A_179 = tpu.memref_slice %dma_start3A_177[%dma_start3A_178] : memref<400xi32, #tpu.memory_space<vmem>> -> memref<80xi32, #tpu.memory_space<vmem>>
    %dma_start3A_180 = arith.constant 0 : i32
    %dma_start3A_181 = arith.constant 0 : i32
    %dma_start3A_182 = tpu.memref_slice %arg2[%dma_start3A_180, %dma_start3A_181] : memref<1000000x64xf32, #tpu.memory_space<hbm>> -> memref<1000000x64xf32, #tpu.memory_space<hbm>>
    tpu.enqueue_indirect_dma source(%dma_start3A_182 : memref<1000000x64xf32, #tpu.memory_space<hbm>>) target(%dma_start3A_174 : memref<80x64xf32, #tpu.memory_space<vmem>>) offsets(%dma_start3A_179 : memref<80xi32, #tpu.memory_space<vmem>>) semaphore(%arg10 : memref<!tpu.dma_semaphore, #tpu.memory_space<semaphore_mem>>)
    %dma_wait3A = arith.constant 0 : i32
    %dma_wait3A_183 = arith.constant 0 : i32
    %dma_wait3A_184 = arith.constant 0 : i32
    %dma_wait3A_185 = arith.constant 0 : i32
    %dma_wait3A_186 = tpu.memref_slice %arg7[%dma_wait3A_183, %dma_wait3A_184, %dma_wait3A_185] : memref<2x400x64xf32, #tpu.memory_space<vmem>> -> memref<1x400x64xf32, #tpu.memory_space<vmem>>
    %dma_wait3A_187 = tpu.memref_squeeze %dma_wait3A_186 : memref<1x400x64xf32, #tpu.memory_space<vmem>> -> memref<400x64xf32, #tpu.memory_space<vmem>>
    %dma_wait3A_188 = arith.constant 0 : i32
    %dma_wait3A_189 = arith.constant 0 : i32
    %dma_wait3A_190 = tpu.memref_slice %dma_wait3A_187[%dma_wait3A_188, %dma_wait3A_189] : memref<400x64xf32, #tpu.memory_space<vmem>> -> memref<80x64xf32, #tpu.memory_space<vmem>>
    %dma_wait3A_191 = arith.constant 0 : i32
    %dma_wait3A_192 = tpu.memref_slice %arg6[%dma_wait3A, %dma_wait3A_191] : memref<2x400xi32, #tpu.memory_space<vmem>> -> memref<1x400xi32, #tpu.memory_space<vmem>>
    %dma_wait3A_193 = tpu.memref_squeeze %dma_wait3A_192 : memref<1x400xi32, #tpu.memory_space<vmem>> -> memref<400xi32, #tpu.memory_space<vmem>>
    %dma_wait3A_194 = arith.constant 0 : i32
    %dma_wait3A_195 = tpu.memref_slice %dma_wait3A_193[%dma_wait3A_194] : memref<400xi32, #tpu.memory_space<vmem>> -> memref<80xi32, #tpu.memory_space<vmem>>
    %dma_wait3A_196 = arith.constant 0 : i32
    %dma_wait3A_197 = arith.constant 0 : i32
    %dma_wait3A_198 = tpu.memref_slice %arg2[%dma_wait3A_196, %dma_wait3A_197] : memref<1000000x64xf32, #tpu.memory_space<hbm>> -> memref<1000000x64xf32, #tpu.memory_space<hbm>>
    tpu.wait_indirect_dma semaphore(%arg9 : memref<!tpu.dma_semaphore, #tpu.memory_space<semaphore_mem>>) src(%dma_wait3A_198 : memref<1000000x64xf32, #tpu.memory_space<hbm>>) dst(%dma_wait3A_190 : memref<80x64xf32, #tpu.memory_space<vmem>>)
    %dma_wait3A_199 = arith.constant 0 : i32
    %dma_wait3A_200 = arith.constant 0 : i32
    %dma_wait3A_201 = arith.constant 0 : i32
    %dma_wait3A_202 = arith.constant 0 : i32
    %dma_wait3A_203 = tpu.memref_slice %arg7[%dma_wait3A_200, %dma_wait3A_201, %dma_wait3A_202] : memref<2x400x64xf32, #tpu.memory_space<vmem>> -> memref<1x400x64xf32, #tpu.memory_space<vmem>>
    %dma_wait3A_204 = tpu.memref_squeeze %dma_wait3A_203 : memref<1x400x64xf32, #tpu.memory_space<vmem>> -> memref<400x64xf32, #tpu.memory_space<vmem>>
    %dma_wait3A_205 = arith.constant 80 : i32
    %dma_wait3A_206 = arith.constant 0 : i32
    %dma_wait3A_207 = tpu.memref_slice %dma_wait3A_204[%dma_wait3A_205, %dma_wait3A_206] : memref<400x64xf32, #tpu.memory_space<vmem>> -> memref<80x64xf32, #tpu.memory_space<vmem>>
    %dma_wait3A_208 = arith.constant 0 : i32
    %dma_wait3A_209 = tpu.memref_slice %arg6[%dma_wait3A_199, %dma_wait3A_208] : memref<2x400xi32, #tpu.memory_space<vmem>> -> memref<1x400xi32, #tpu.memory_space<vmem>>
    %dma_wait3A_210 = tpu.memref_squeeze %dma_wait3A_209 : memref<1x400xi32, #tpu.memory_space<vmem>> -> memref<400xi32, #tpu.memory_space<vmem>>
    %dma_wait3A_211 = arith.constant 80 : i32
    %dma_wait3A_212 = tpu.memref_slice %dma_wait3A_210[%dma_wait3A_211] : memref<400xi32, #tpu.memory_space<vmem>> -> memref<80xi32, #tpu.memory_space<vmem>>
    %dma_wait3A_213 = arith.constant 0 : i32
    %dma_wait3A_214 = arith.constant 0 : i32
    %dma_wait3A_215 = tpu.memref_slice %arg2[%dma_wait3A_213, %dma_wait3A_214] : memref<1000000x64xf32, #tpu.memory_space<hbm>> -> memref<1000000x64xf32, #tpu.memory_space<hbm>>
    tpu.wait_indirect_dma semaphore(%arg9 : memref<!tpu.dma_semaphore, #tpu.memory_space<semaphore_mem>>) src(%dma_wait3A_215 : memref<1000000x64xf32, #tpu.memory_space<hbm>>) dst(%dma_wait3A_207 : memref<80x64xf32, #tpu.memory_space<vmem>>)
    %dma_wait3A_216 = arith.constant 0 : i32
    %dma_wait3A_217 = arith.constant 0 : i32
    %dma_wait3A_218 = arith.constant 0 : i32
    %dma_wait3A_219 = arith.constant 0 : i32
    %dma_wait3A_220 = tpu.memref_slice %arg7[%dma_wait3A_217, %dma_wait3A_218, %dma_wait3A_219] : memref<2x400x64xf32, #tpu.memory_space<vmem>> -> memref<1x400x64xf32, #tpu.memory_space<vmem>>
    %dma_wait3A_221 = tpu.memref_squeeze %dma_wait3A_220 : memref<1x400x64xf32, #tpu.memory_space<vmem>> -> memref<400x64xf32, #tpu.memory_space<vmem>>
    %dma_wait3A_222 = arith.constant 160 : i32
    %dma_wait3A_223 = arith.constant 0 : i32
    %dma_wait3A_224 = tpu.memref_slice %dma_wait3A_221[%dma_wait3A_222, %dma_wait3A_223] : memref<400x64xf32, #tpu.memory_space<vmem>> -> memref<80x64xf32, #tpu.memory_space<vmem>>
    %dma_wait3A_225 = arith.constant 0 : i32
    %dma_wait3A_226 = tpu.memref_slice %arg6[%dma_wait3A_216, %dma_wait3A_225] : memref<2x400xi32, #tpu.memory_space<vmem>> -> memref<1x400xi32, #tpu.memory_space<vmem>>
    %dma_wait3A_227 = tpu.memref_squeeze %dma_wait3A_226 : memref<1x400xi32, #tpu.memory_space<vmem>> -> memref<400xi32, #tpu.memory_space<vmem>>
    %dma_wait3A_228 = arith.constant 160 : i32
    %dma_wait3A_229 = tpu.memref_slice %dma_wait3A_227[%dma_wait3A_228] : memref<400xi32, #tpu.memory_space<vmem>> -> memref<80xi32, #tpu.memory_space<vmem>>
    %dma_wait3A_230 = arith.constant 0 : i32
    %dma_wait3A_231 = arith.constant 0 : i32
    %dma_wait3A_232 = tpu.memref_slice %arg2[%dma_wait3A_230, %dma_wait3A_231] : memref<1000000x64xf32, #tpu.memory_space<hbm>> -> memref<1000000x64xf32, #tpu.memory_space<hbm>>
    tpu.wait_indirect_dma semaphore(%arg9 : memref<!tpu.dma_semaphore, #tpu.memory_space<semaphore_mem>>) src(%dma_wait3A_232 : memref<1000000x64xf32, #tpu.memory_space<hbm>>) dst(%dma_wait3A_224 : memref<80x64xf32, #tpu.memory_space<vmem>>)
    %dma_wait3A_233 = arith.constant 0 : i32
    %dma_wait3A_234 = arith.constant 0 : i32
    %dma_wait3A_235 = arith.constant 0 : i32
    %dma_wait3A_236 = arith.constant 0 : i32
    %dma_wait3A_237 = tpu.memref_slice %arg7[%dma_wait3A_234, %dma_wait3A_235, %dma_wait3A_236] : memref<2x400x64xf32, #tpu.memory_space<vmem>> -> memref<1x400x64xf32, #tpu.memory_space<vmem>>
    %dma_wait3A_238 = tpu.memref_squeeze %dma_wait3A_237 : memref<1x400x64xf32, #tpu.memory_space<vmem>> -> memref<400x64xf32, #tpu.memory_space<vmem>>
    %dma_wait3A_239 = arith.constant 240 : i32
    %dma_wait3A_240 = arith.constant 0 : i32
    %dma_wait3A_241 = tpu.memref_slice %dma_wait3A_238[%dma_wait3A_239, %dma_wait3A_240] : memref<400x64xf32, #tpu.memory_space<vmem>> -> memref<80x64xf32, #tpu.memory_space<vmem>>
    %dma_wait3A_242 = arith.constant 0 : i32
    %dma_wait3A_243 = tpu.memref_slice %arg6[%dma_wait3A_233, %dma_wait3A_242] : memref<2x400xi32, #tpu.memory_space<vmem>> -> memref<1x400xi32, #tpu.memory_space<vmem>>
    %dma_wait3A_244 = tpu.memref_squeeze %dma_wait3A_243 : memref<1x400xi32, #tpu.memory_space<vmem>> -> memref<400xi32, #tpu.memory_space<vmem>>
    %dma_wait3A_245 = arith.constant 240 : i32
    %dma_wait3A_246 = tpu.memref_slice %dma_wait3A_244[%dma_wait3A_245] : memref<400xi32, #tpu.memory_space<vmem>> -> memref<80xi32, #tpu.memory_space<vmem>>
    %dma_wait3A_247 = arith.constant 0 : i32
    %dma_wait3A_248 = arith.constant 0 : i32
    %dma_wait3A_249 = tpu.memref_slice %arg2[%dma_wait3A_247, %dma_wait3A_248] : memref<1000000x64xf32, #tpu.memory_space<hbm>> -> memref<1000000x64xf32, #tpu.memory_space<hbm>>
    tpu.wait_indirect_dma semaphore(%arg9 : memref<!tpu.dma_semaphore, #tpu.memory_space<semaphore_mem>>) src(%dma_wait3A_249 : memref<1000000x64xf32, #tpu.memory_space<hbm>>) dst(%dma_wait3A_241 : memref<80x64xf32, #tpu.memory_space<vmem>>)
    %dma_wait3A_250 = arith.constant 0 : i32
    %dma_wait3A_251 = arith.constant 0 : i32
    %dma_wait3A_252 = arith.constant 0 : i32
    %dma_wait3A_253 = arith.constant 0 : i32
    %dma_wait3A_254 = tpu.memref_slice %arg7[%dma_wait3A_251, %dma_wait3A_252, %dma_wait3A_253] : memref<2x400x64xf32, #tpu.memory_space<vmem>> -> memref<1x400x64xf32, #tpu.memory_space<vmem>>
    %dma_wait3A_255 = tpu.memref_squeeze %dma_wait3A_254 : memref<1x400x64xf32, #tpu.memory_space<vmem>> -> memref<400x64xf32, #tpu.memory_space<vmem>>
    %dma_wait3A_256 = arith.constant 320 : i32
    %dma_wait3A_257 = arith.constant 0 : i32
    %dma_wait3A_258 = tpu.memref_slice %dma_wait3A_255[%dma_wait3A_256, %dma_wait3A_257] : memref<400x64xf32, #tpu.memory_space<vmem>> -> memref<80x64xf32, #tpu.memory_space<vmem>>
    %dma_wait3A_259 = arith.constant 0 : i32
    %dma_wait3A_260 = tpu.memref_slice %arg6[%dma_wait3A_250, %dma_wait3A_259] : memref<2x400xi32, #tpu.memory_space<vmem>> -> memref<1x400xi32, #tpu.memory_space<vmem>>
    %dma_wait3A_261 = tpu.memref_squeeze %dma_wait3A_260 : memref<1x400xi32, #tpu.memory_space<vmem>> -> memref<400xi32, #tpu.memory_space<vmem>>
    %dma_wait3A_262 = arith.constant 320 : i32
    %dma_wait3A_263 = tpu.memref_slice %dma_wait3A_261[%dma_wait3A_262] : memref<400xi32, #tpu.memory_space<vmem>> -> memref<80xi32, #tpu.memory_space<vmem>>
    %dma_wait3A_264 = arith.constant 0 : i32
    %dma_wait3A_265 = arith.constant 0 : i32
    %dma_wait3A_266 = tpu.memref_slice %arg2[%dma_wait3A_264, %dma_wait3A_265] : memref<1000000x64xf32, #tpu.memory_space<hbm>> -> memref<1000000x64xf32, #tpu.memory_space<hbm>>
    tpu.wait_indirect_dma semaphore(%arg9 : memref<!tpu.dma_semaphore, #tpu.memory_space<semaphore_mem>>) src(%dma_wait3A_266 : memref<1000000x64xf32, #tpu.memory_space<hbm>>) dst(%dma_wait3A_258 : memref<80x64xf32, #tpu.memory_space<vmem>>)
    %scan3A_267 = arith.constant 0 : i32
    %scan3A_268 = arith.constant 0 : i32
    %scan3A_269 = arith.constant 200 : i32
    %scan3A_270 = arith.addi %scan3A_268, %scan3A_269 : i32
    %scan3A_271 = arith.constant 1 : i32
    %scan3A_272 = scf.for %scan3A_370 = %scan3A_268 to %scan3A_270 step %scan3A_271 iter_args(%scan3A_371 = %scan3A_267) -> (i32)  : i32 {
      %get3A = arith.index_cast %scan3A_370 : i32 to index
      %get3A_372 = arith.constant 0 : index
      %get3A_373 = tpu.vector_load %arg8[%get3A, %get3A_372] {strides = array<i32>} : memref<200x64xf32, #tpu.memory_space<vmem>>, vector<1x16xf32>,
      %get3A_374 = vector.shape_cast %get3A_373 : vector<1x16xf32> to vector<16xf32>
      %add3A_375 = arith.constant 0 : i32
      %add3A_376 = arith.addi %add3A_375, %scan3A_370 : i32
      %swap3A = arith.constant 0 : i32
      %swap3A_377 = arith.index_cast %swap3A : i32 to index
      %swap3A_378 = arith.index_cast %add3A_376 : i32 to index
      %swap3A_379 = arith.constant 0 : index
      %swap3A_380 = tpu.vector_load %arg7[%swap3A_377, %swap3A_378, %swap3A_379] {strides = array<i32>} : memref<2x400x64xf32, #tpu.memory_space<vmem>>, vector<1x1x16xf32>,
      %swap3A_381 = vector.shape_cast %swap3A_380 : vector<1x1x16xf32> to vector<16xf32>
      %swap3A_382 = vector.shape_cast %get3A_374 : vector<16xf32> to vector<1x1x16xf32>
      tpu.vector_store %arg7[%swap3A_377, %swap3A_378, %swap3A_379], %swap3A_382 {add = true, strides = array<i32>} : memref<2x400x64xf32, #tpu.memory_space<vmem>>, vector<1x1x16xf32>,
      %add3A_383 = arith.constant 200 : i32
      %add3A_384 = arith.addi %add3A_383, %scan3A_370 : i32
      %swap3A_385 = arith.constant 0 : i32
      %swap3A_386 = arith.index_cast %swap3A_385 : i32 to index
      %swap3A_387 = arith.index_cast %add3A_384 : i32 to index
      %swap3A_388 = arith.constant 0 : index
      %swap3A_389 = tpu.vector_load %arg7[%swap3A_386, %swap3A_387, %swap3A_388] {strides = array<i32>} : memref<2x400x64xf32, #tpu.memory_space<vmem>>, vector<1x1x16xf32>,
      %swap3A_390 = vector.shape_cast %swap3A_389 : vector<1x1x16xf32> to vector<16xf32>
      %swap3A_391 = vector.shape_cast %get3A_374 : vector<16xf32> to vector<1x1x16xf32>
      tpu.vector_store %arg7[%swap3A_386, %swap3A_387, %swap3A_388], %swap3A_391 {add = true, strides = array<i32>} : memref<2x400x64xf32, #tpu.memory_space<vmem>>, vector<1x1x16xf32>,
      %get3A_392 = arith.index_cast %scan3A_370 : i32 to index
      %get3A_393 = arith.constant 16 : index
      %get3A_394 = tpu.vector_load %arg8[%get3A_392, %get3A_393] {strides = array<i32>} : memref<200x64xf32, #tpu.memory_space<vmem>>, vector<1x16xf32>,
      %get3A_395 = vector.shape_cast %get3A_394 : vector<1x16xf32> to vector<16xf32>
      %add3A_396 = arith.constant 0 : i32
      %add3A_397 = arith.addi %add3A_396, %scan3A_370 : i32
      %swap3A_398 = arith.constant 0 : i32
      %swap3A_399 = arith.index_cast %swap3A_398 : i32 to index
      %swap3A_400 = arith.index_cast %add3A_397 : i32 to index
      %swap3A_401 = arith.constant 16 : index
      %swap3A_402 = tpu.vector_load %arg7[%swap3A_399, %swap3A_400, %swap3A_401] {strides = array<i32>} : memref<2x400x64xf32, #tpu.memory_space<vmem>>, vector<1x1x16xf32>,
      %swap3A_403 = vector.shape_cast %swap3A_402 : vector<1x1x16xf32> to vector<16xf32>
      %swap3A_404 = vector.shape_cast %get3A_395 : vector<16xf32> to vector<1x1x16xf32>
      tpu.vector_store %arg7[%swap3A_399, %swap3A_400, %swap3A_401], %swap3A_404 {add = true, strides = array<i32>} : memref<2x400x64xf32, #tpu.memory_space<vmem>>, vector<1x1x16xf32>,
      %add3A_405 = arith.constant 200 : i32
      %add3A_406 = arith.addi %add3A_405, %scan3A_370 : i32
      %swap3A_407 = arith.constant 0 : i32
      %swap3A_408 = arith.index_cast %swap3A_407 : i32 to index
      %swap3A_409 = arith.index_cast %add3A_406 : i32 to index
      %swap3A_410 = arith.constant 16 : index
      %swap3A_411 = tpu.vector_load %arg7[%swap3A_408, %swap3A_409, %swap3A_410] {strides = array<i32>} : memref<2x400x64xf32, #tpu.memory_space<vmem>>, vector<1x1x16xf32>,
      %swap3A_412 = vector.shape_cast %swap3A_411 : vector<1x1x16xf32> to vector<16xf32>
      %swap3A_413 = vector.shape_cast %get3A_395 : vector<16xf32> to vector<1x1x16xf32>
      tpu.vector_store %arg7[%swap3A_408, %swap3A_409, %swap3A_410], %swap3A_413 {add = true, strides = array<i32>} : memref<2x400x64xf32, #tpu.memory_space<vmem>>, vector<1x1x16xf32>,
      %get3A_414 = arith.index_cast %scan3A_370 : i32 to index
      %get3A_415 = arith.constant 32 : index
      %get3A_416 = tpu.vector_load %arg8[%get3A_414, %get3A_415] {strides = array<i32>} : memref<200x64xf32, #tpu.memory_space<vmem>>, vector<1x16xf32>,
      %get3A_417 = vector.shape_cast %get3A_416 : vector<1x16xf32> to vector<16xf32>
      %add3A_418 = arith.constant 0 : i32
      %add3A_419 = arith.addi %add3A_418, %scan3A_370 : i32
      %swap3A_420 = arith.constant 0 : i32
      %swap3A_421 = arith.index_cast %swap3A_420 : i32 to index
      %swap3A_422 = arith.index_cast %add3A_419 : i32 to index
      %swap3A_423 = arith.constant 32 : index
      %swap3A_424 = tpu.vector_load %arg7[%swap3A_421, %swap3A_422, %swap3A_423] {strides = array<i32>} : memref<2x400x64xf32, #tpu.memory_space<vmem>>, vector<1x1x16xf32>,
      %swap3A_425 = vector.shape_cast %swap3A_424 : vector<1x1x16xf32> to vector<16xf32>
      %swap3A_426 = vector.shape_cast %get3A_417 : vector<16xf32> to vector<1x1x16xf32>
      tpu.vector_store %arg7[%swap3A_421, %swap3A_422, %swap3A_423], %swap3A_426 {add = true, strides = array<i32>} : memref<2x400x64xf32, #tpu.memory_space<vmem>>, vector<1x1x16xf32>,
      %add3A_427 = arith.constant 200 : i32
      %add3A_428 = arith.addi %add3A_427, %scan3A_370 : i32
      %swap3A_429 = arith.constant 0 : i32
      %swap3A_430 = arith.index_cast %swap3A_429 : i32 to index
      %swap3A_431 = arith.index_cast %add3A_428 : i32 to index
      %swap3A_432 = arith.constant 32 : index
      %swap3A_433 = tpu.vector_load %arg7[%swap3A_430, %swap3A_431, %swap3A_432] {strides = array<i32>} : memref<2x400x64xf32, #tpu.memory_space<vmem>>, vector<1x1x16xf32>,
      %swap3A_434 = vector.shape_cast %swap3A_433 : vector<1x1x16xf32> to vector<16xf32>
      %swap3A_435 = vector.shape_cast %get3A_417 : vector<16xf32> to vector<1x1x16xf32>
      tpu.vector_store %arg7[%swap3A_430, %swap3A_431, %swap3A_432], %swap3A_435 {add = true, strides = array<i32>} : memref<2x400x64xf32, #tpu.memory_space<vmem>>, vector<1x1x16xf32>,
      %get3A_436 = arith.index_cast %scan3A_370 : i32 to index
      %get3A_437 = arith.constant 48 : index
      %get3A_438 = tpu.vector_load %arg8[%get3A_436, %get3A_437] {strides = array<i32>} : memref<200x64xf32, #tpu.memory_space<vmem>>, vector<1x16xf32>,
      %get3A_439 = vector.shape_cast %get3A_438 : vector<1x16xf32> to vector<16xf32>
      %add3A_440 = arith.constant 0 : i32
      %add3A_441 = arith.addi %add3A_440, %scan3A_370 : i32
      %swap3A_442 = arith.constant 0 : i32
      %swap3A_443 = arith.index_cast %swap3A_442 : i32 to index
      %swap3A_444 = arith.index_cast %add3A_441 : i32 to index
      %swap3A_445 = arith.constant 48 : index
      %swap3A_446 = tpu.vector_load %arg7[%swap3A_443, %swap3A_444, %swap3A_445] {strides = array<i32>} : memref<2x400x64xf32, #tpu.memory_space<vmem>>, vector<1x1x16xf32>,
      %swap3A_447 = vector.shape_cast %swap3A_446 : vector<1x1x16xf32> to vector<16xf32>
      %swap3A_448 = vector.shape_cast %get3A_439 : vector<16xf32> to vector<1x1x16xf32>
      tpu.vector_store %arg7[%swap3A_443, %swap3A_444, %swap3A_445], %swap3A_448 {add = true, strides = array<i32>} : memref<2x400x64xf32, #tpu.memory_space<vmem>>, vector<1x1x16xf32>,
      %add3A_449 = arith.constant 200 : i32
      %add3A_450 = arith.addi %add3A_449, %scan3A_370 : i32
      %swap3A_451 = arith.constant 0 : i32
      %swap3A_452 = arith.index_cast %swap3A_451 : i32 to index
      %swap3A_453 = arith.index_cast %add3A_450 : i32 to index
      %swap3A_454 = arith.constant 48 : index
      %swap3A_455 = tpu.vector_load %arg7[%swap3A_452, %swap3A_453, %swap3A_454] {strides = array<i32>} : memref<2x400x64xf32, #tpu.memory_space<vmem>>, vector<1x1x16xf32>,
      %swap3A_456 = vector.shape_cast %swap3A_455 : vector<1x1x16xf32> to vector<16xf32>
      %swap3A_457 = vector.shape_cast %get3A_439 : vector<16xf32> to vector<1x1x16xf32>
      tpu.vector_store %arg7[%swap3A_452, %swap3A_453, %swap3A_454], %swap3A_457 {add = true, strides = array<i32>} : memref<2x400x64xf32, #tpu.memory_space<vmem>>, vector<1x1x16xf32>,
      %scan3A_458 = arith.constant 0 : i32
      scf.yield %scan3A_458 : i32
    }
    %scan3A_273 = arith.constant 200 : i32
    %run_scoped3A_274 = arith.constant 0 : i32
    "tpu.region"() ({
      %run_scoped3A_370 = tpu.sem_alloc : memref<!tpu.dma_semaphore, #tpu.memory_space<semaphore_mem>>
      %dma_start3A_371 = arith.constant 0 : i32
      %dma_start3A_372 = arith.constant 0 : i32
      %dma_start3A_373 = tpu.memref_slice %arg7[%run_scoped3A_274, %dma_start3A_371, %dma_start3A_372] : memref<2x400x64xf32, #tpu.memory_space<vmem>> -> memref<1x400x64xf32, #tpu.memory_space<vmem>>
      %dma_start3A_374 = tpu.memref_squeeze %dma_start3A_373 : memref<1x400x64xf32, #tpu.memory_space<vmem>> -> memref<400x64xf32, #tpu.memory_space<vmem>>
      %dma_start3A_375 = arith.constant 0 : i32
      %dma_start3A_376 = tpu.memref_slice %arg5[%add3A_94, %dma_start3A_375] : memref<819200x128xf32, #tpu.memory_space<hbm>> -> memref<400x128xf32, #tpu.memory_space<hbm>>
      %dma_start3A_377 = arith.constant 0 : i32
      %dma_start3A_378 = arith.constant 0 : i32
      %dma_start3A_379 = tpu.memref_slice %dma_start3A_376[%dma_start3A_377, %dma_start3A_378] : memref<400x128xf32, #tpu.memory_space<hbm>> -> memref<400x64xf32, #tpu.memory_space<hbm>>
      %dma_start3A_380 = arith.constant 0 : i32
      %dma_start3A_381 = tpu.memref_slice %arg5[%add3A_94, %dma_start3A_380] : memref<819200x128xf32, #tpu.memory_space<hbm>> -> memref<400x128xf32, #tpu.memory_space<hbm>>
      %dma_start3A_382 = arith.constant 0 : i32
      %dma_start3A_383 = arith.constant 0 : i32
      %dma_start3A_384 = tpu.memref_slice %dma_start3A_381[%dma_start3A_382, %dma_start3A_383] : memref<400x128xf32, #tpu.memory_space<hbm>> -> memref<400x64xf32, #tpu.memory_space<hbm>>
      %dma_start3A_385 = arith.constant 0 : i32
      %dma_start3A_386 = arith.constant 0 : i32
      %dma_start3A_387 = tpu.memref_slice %arg7[%run_scoped3A_274, %dma_start3A_385, %dma_start3A_386] : memref<2x400x64xf32, #tpu.memory_space<vmem>> -> memref<1x400x64xf32, #tpu.memory_space<vmem>>
      %dma_start3A_388 = tpu.memref_squeeze %dma_start3A_387 : memref<1x400x64xf32, #tpu.memory_space<vmem>> -> memref<400x64xf32, #tpu.memory_space<vmem>>
      tpu.enqueue_dma source(%dma_start3A_388 : memref<400x64xf32, #tpu.memory_space<vmem>>) target(%dma_start3A_384 : memref<400x64xf32, #tpu.memory_space<hbm>>) target_semaphore(%run_scoped3A_370 : memref<!tpu.dma_semaphore, #tpu.memory_space<semaphore_mem>>)
      %dma_wait3A_389 = arith.constant 0 : i32
      %dma_wait3A_390 = arith.constant 0 : i32
      %dma_wait3A_391 = tpu.memref_slice %arg7[%run_scoped3A_274, %dma_wait3A_389, %dma_wait3A_390] : memref<2x400x64xf32, #tpu.memory_space<vmem>> -> memref<1x400x64xf32, #tpu.memory_space<vmem>>
      %dma_wait3A_392 = tpu.memref_squeeze %dma_wait3A_391 : memref<1x400x64xf32, #tpu.memory_space<vmem>> -> memref<400x64xf32, #tpu.memory_space<vmem>>
      %dma_wait3A_393 = arith.constant 0 : i32
      %dma_wait3A_394 = tpu.memref_slice %arg5[%add3A_94, %dma_wait3A_393] : memref<819200x128xf32, #tpu.memory_space<hbm>> -> memref<400x128xf32, #tpu.memory_space<hbm>>
      %dma_wait3A_395 = arith.constant 0 : i32
      %dma_wait3A_396 = arith.constant 0 : i32
      %dma_wait3A_397 = tpu.memref_slice %dma_wait3A_394[%dma_wait3A_395, %dma_wait3A_396] : memref<400x128xf32, #tpu.memory_space<hbm>> -> memref<400x64xf32, #tpu.memory_space<hbm>>
      %dma_wait3A_398 = arith.constant 0 : i32
      %dma_wait3A_399 = tpu.memref_slice %arg5[%add3A_94, %dma_wait3A_398] : memref<819200x128xf32, #tpu.memory_space<hbm>> -> memref<400x128xf32, #tpu.memory_space<hbm>>
      %dma_wait3A_400 = arith.constant 0 : i32
      %dma_wait3A_401 = arith.constant 0 : i32
      %dma_wait3A_402 = tpu.memref_slice %dma_wait3A_399[%dma_wait3A_400, %dma_wait3A_401] : memref<400x128xf32, #tpu.memory_space<hbm>> -> memref<400x64xf32, #tpu.memory_space<hbm>>
      %dma_wait3A_403 = arith.constant 0 : i32
      %dma_wait3A_404 = arith.constant 0 : i32
      %dma_wait3A_405 = tpu.memref_slice %arg7[%run_scoped3A_274, %dma_wait3A_403, %dma_wait3A_404] : memref<2x400x64xf32, #tpu.memory_space<vmem>> -> memref<1x400x64xf32, #tpu.memory_space<vmem>>
      %dma_wait3A_406 = tpu.memref_squeeze %dma_wait3A_405 : memref<1x400x64xf32, #tpu.memory_space<vmem>> -> memref<400x64xf32, #tpu.memory_space<vmem>>
      tpu.wait_dma2 semaphore(%run_scoped3A_370 : memref<!tpu.dma_semaphore, #tpu.memory_space<semaphore_mem>>) src(%dma_wait3A_406 : memref<400x64xf32, #tpu.memory_space<vmem>>) dst(%dma_wait3A_402 : memref<400x64xf32, #tpu.memory_space<hbm>>)
      tpu.yield
    }) : () -> ()
    %dma_wait3A_275 = arith.constant 1 : i32
    %dma_wait3A_276 = arith.constant 1 : i32
    %dma_wait3A_277 = arith.constant 0 : i32
    %dma_wait3A_278 = arith.constant 0 : i32
    %dma_wait3A_279 = tpu.memref_slice %arg7[%dma_wait3A_276, %dma_wait3A_277, %dma_wait3A_278] : memref<2x400x64xf32, #tpu.memory_space<vmem>> -> memref<1x400x64xf32, #tpu.memory_space<vmem>>
    %dma_wait3A_280 = tpu.memref_squeeze %dma_wait3A_279 : memref<1x400x64xf32, #tpu.memory_space<vmem>> -> memref<400x64xf32, #tpu.memory_space<vmem>>
    %dma_wait3A_281 = arith.constant 0 : i32
    %dma_wait3A_282 = arith.constant 0 : i32
    %dma_wait3A_283 = tpu.memref_slice %dma_wait3A_280[%dma_wait3A_281, %dma_wait3A_282] : memref<400x64xf32, #tpu.memory_space<vmem>> -> memref<80x64xf32, #tpu.memory_space<vmem>>
    %dma_wait3A_284 = arith.constant 0 : i32
    %dma_wait3A_285 = tpu.memref_slice %arg6[%dma_wait3A_275, %dma_wait3A_284] : memref<2x400xi32, #tpu.memory_space<vmem>> -> memref<1x400xi32, #tpu.memory_space<vmem>>
    %dma_wait3A_286 = tpu.memref_squeeze %dma_wait3A_285 : memref<1x400xi32, #tpu.memory_space<vmem>> -> memref<400xi32, #tpu.memory_space<vmem>>
    %dma_wait3A_287 = arith.constant 0 : i32
    %dma_wait3A_288 = tpu.memref_slice %dma_wait3A_286[%dma_wait3A_287] : memref<400xi32, #tpu.memory_space<vmem>> -> memref<80xi32, #tpu.memory_space<vmem>>
    %dma_wait3A_289 = arith.constant 0 : i32
    %dma_wait3A_290 = arith.constant 0 : i32
    %dma_wait3A_291 = tpu.memref_slice %arg2[%dma_wait3A_289, %dma_wait3A_290] : memref<1000000x64xf32, #tpu.memory_space<hbm>> -> memref<1000000x64xf32, #tpu.memory_space<hbm>>
    tpu.wait_indirect_dma semaphore(%arg10 : memref<!tpu.dma_semaphore, #tpu.memory_space<semaphore_mem>>) src(%dma_wait3A_291 : memref<1000000x64xf32, #tpu.memory_space<hbm>>) dst(%dma_wait3A_283 : memref<80x64xf32, #tpu.memory_space<vmem>>)
    %dma_wait3A_292 = arith.constant 1 : i32
    %dma_wait3A_293 = arith.constant 1 : i32
    %dma_wait3A_294 = arith.constant 0 : i32
    %dma_wait3A_295 = arith.constant 0 : i32
    %dma_wait3A_296 = tpu.memref_slice %arg7[%dma_wait3A_293, %dma_wait3A_294, %dma_wait3A_295] : memref<2x400x64xf32, #tpu.memory_space<vmem>> -> memref<1x400x64xf32, #tpu.memory_space<vmem>>
    %dma_wait3A_297 = tpu.memref_squeeze %dma_wait3A_296 : memref<1x400x64xf32, #tpu.memory_space<vmem>> -> memref<400x64xf32, #tpu.memory_space<vmem>>
    %dma_wait3A_298 = arith.constant 80 : i32
    %dma_wait3A_299 = arith.constant 0 : i32
    %dma_wait3A_300 = tpu.memref_slice %dma_wait3A_297[%dma_wait3A_298, %dma_wait3A_299] : memref<400x64xf32, #tpu.memory_space<vmem>> -> memref<80x64xf32, #tpu.memory_space<vmem>>
    %dma_wait3A_301 = arith.constant 0 : i32
    %dma_wait3A_302 = tpu.memref_slice %arg6[%dma_wait3A_292, %dma_wait3A_301] : memref<2x400xi32, #tpu.memory_space<vmem>> -> memref<1x400xi32, #tpu.memory_space<vmem>>
    %dma_wait3A_303 = tpu.memref_squeeze %dma_wait3A_302 : memref<1x400xi32, #tpu.memory_space<vmem>> -> memref<400xi32, #tpu.memory_space<vmem>>
    %dma_wait3A_304 = arith.constant 80 : i32
    %dma_wait3A_305 = tpu.memref_slice %dma_wait3A_303[%dma_wait3A_304] : memref<400xi32, #tpu.memory_space<vmem>> -> memref<80xi32, #tpu.memory_space<vmem>>
    %dma_wait3A_306 = arith.constant 0 : i32
    %dma_wait3A_307 = arith.constant 0 : i32
    %dma_wait3A_308 = tpu.memref_slice %arg2[%dma_wait3A_306, %dma_wait3A_307] : memref<1000000x64xf32, #tpu.memory_space<hbm>> -> memref<1000000x64xf32, #tpu.memory_space<hbm>>
    tpu.wait_indirect_dma semaphore(%arg10 : memref<!tpu.dma_semaphore, #tpu.memory_space<semaphore_mem>>) src(%dma_wait3A_308 : memref<1000000x64xf32, #tpu.memory_space<hbm>>) dst(%dma_wait3A_300 : memref<80x64xf32, #tpu.memory_space<vmem>>)
    %dma_wait3A_309 = arith.constant 1 : i32
    %dma_wait3A_310 = arith.constant 1 : i32
    %dma_wait3A_311 = arith.constant 0 : i32
    %dma_wait3A_312 = arith.constant 0 : i32
    %dma_wait3A_313 = tpu.memref_slice %arg7[%dma_wait3A_310, %dma_wait3A_311, %dma_wait3A_312] : memref<2x400x64xf32, #tpu.memory_space<vmem>> -> memref<1x400x64xf32, #tpu.memory_space<vmem>>
    %dma_wait3A_314 = tpu.memref_squeeze %dma_wait3A_313 : memref<1x400x64xf32, #tpu.memory_space<vmem>> -> memref<400x64xf32, #tpu.memory_space<vmem>>
    %dma_wait3A_315 = arith.constant 160 : i32
    %dma_wait3A_316 = arith.constant 0 : i32
    %dma_wait3A_317 = tpu.memref_slice %dma_wait3A_314[%dma_wait3A_315, %dma_wait3A_316] : memref<400x64xf32, #tpu.memory_space<vmem>> -> memref<80x64xf32, #tpu.memory_space<vmem>>
    %dma_wait3A_318 = arith.constant 0 : i32
    %dma_wait3A_319 = tpu.memref_slice %arg6[%dma_wait3A_309, %dma_wait3A_318] : memref<2x400xi32, #tpu.memory_space<vmem>> -> memref<1x400xi32, #tpu.memory_space<vmem>>
    %dma_wait3A_320 = tpu.memref_squeeze %dma_wait3A_319 : memref<1x400xi32, #tpu.memory_space<vmem>> -> memref<400xi32, #tpu.memory_space<vmem>>
    %dma_wait3A_321 = arith.constant 160 : i32
    %dma_wait3A_322 = tpu.memref_slice %dma_wait3A_320[%dma_wait3A_321] : memref<400xi32, #tpu.memory_space<vmem>> -> memref<80xi32, #tpu.memory_space<vmem>>
    %dma_wait3A_323 = arith.constant 0 : i32
    %dma_wait3A_324 = arith.constant 0 : i32
    %dma_wait3A_325 = tpu.memref_slice %arg2[%dma_wait3A_323, %dma_wait3A_324] : memref<1000000x64xf32, #tpu.memory_space<hbm>> -> memref<1000000x64xf32, #tpu.memory_space<hbm>>
    tpu.wait_indirect_dma semaphore(%arg10 : memref<!tpu.dma_semaphore, #tpu.memory_space<semaphore_mem>>) src(%dma_wait3A_325 : memref<1000000x64xf32, #tpu.memory_space<hbm>>) dst(%dma_wait3A_317 : memref<80x64xf32, #tpu.memory_space<vmem>>)
    %dma_wait3A_326 = arith.constant 1 : i32
    %dma_wait3A_327 = arith.constant 1 : i32
    %dma_wait3A_328 = arith.constant 0 : i32
    %dma_wait3A_329 = arith.constant 0 : i32
    %dma_wait3A_330 = tpu.memref_slice %arg7[%dma_wait3A_327, %dma_wait3A_328, %dma_wait3A_329] : memref<2x400x64xf32, #tpu.memory_space<vmem>> -> memref<1x400x64xf32, #tpu.memory_space<vmem>>
    %dma_wait3A_331 = tpu.memref_squeeze %dma_wait3A_330 : memref<1x400x64xf32, #tpu.memory_space<vmem>> -> memref<400x64xf32, #tpu.memory_space<vmem>>
    %dma_wait3A_332 = arith.constant 240 : i32
    %dma_wait3A_333 = arith.constant 0 : i32
    %dma_wait3A_334 = tpu.memref_slice %dma_wait3A_331[%dma_wait3A_332, %dma_wait3A_333] : memref<400x64xf32, #tpu.memory_space<vmem>> -> memref<80x64xf32, #tpu.memory_space<vmem>>
    %dma_wait3A_335 = arith.constant 0 : i32
    %dma_wait3A_336 = tpu.memref_slice %arg6[%dma_wait3A_326, %dma_wait3A_335] : memref<2x400xi32, #tpu.memory_space<vmem>> -> memref<1x400xi32, #tpu.memory_space<vmem>>
    %dma_wait3A_337 = tpu.memref_squeeze %dma_wait3A_336 : memref<1x400xi32, #tpu.memory_space<vmem>> -> memref<400xi32, #tpu.memory_space<vmem>>
    %dma_wait3A_338 = arith.constant 240 : i32
    %dma_wait3A_339 = tpu.memref_slice %dma_wait3A_337[%dma_wait3A_338] : memref<400xi32, #tpu.memory_space<vmem>> -> memref<80xi32, #tpu.memory_space<vmem>>
    %dma_wait3A_340 = arith.constant 0 : i32
    %dma_wait3A_341 = arith.constant 0 : i32
    %dma_wait3A_342 = tpu.memref_slice %arg2[%dma_wait3A_340, %dma_wait3A_341] : memref<1000000x64xf32, #tpu.memory_space<hbm>> -> memref<1000000x64xf32, #tpu.memory_space<hbm>>
    tpu.wait_indirect_dma semaphore(%arg10 : memref<!tpu.dma_semaphore, #tpu.memory_space<semaphore_mem>>) src(%dma_wait3A_342 : memref<1000000x64xf32, #tpu.memory_space<hbm>>) dst(%dma_wait3A_334 : memref<80x64xf32, #tpu.memory_space<vmem>>)
    %dma_wait3A_343 = arith.constant 1 : i32
    %dma_wait3A_344 = arith.constant 1 : i32
    %dma_wait3A_345 = arith.constant 0 : i32
    %dma_wait3A_346 = arith.constant 0 : i32
    %dma_wait3A_347 = tpu.memref_slice %arg7[%dma_wait3A_344, %dma_wait3A_345, %dma_wait3A_346] : memref<2x400x64xf32, #tpu.memory_space<vmem>> -> memref<1x400x64xf32, #tpu.memory_space<vmem>>
    %dma_wait3A_348 = tpu.memref_squeeze %dma_wait3A_347 : memref<1x400x64xf32, #tpu.memory_space<vmem>> -> memref<400x64xf32, #tpu.memory_space<vmem>>
    %dma_wait3A_349 = arith.constant 320 : i32
    %dma_wait3A_350 = arith.constant 0 : i32
    %dma_wait3A_351 = tpu.memref_slice %dma_wait3A_348[%dma_wait3A_349, %dma_wait3A_350] : memref<400x64xf32, #tpu.memory_space<vmem>> -> memref<80x64xf32, #tpu.memory_space<vmem>>
    %dma_wait3A_352 = arith.constant 0 : i32
    %dma_wait3A_353 = tpu.memref_slice %arg6[%dma_wait3A_343, %dma_wait3A_352] : memref<2x400xi32, #tpu.memory_space<vmem>> -> memref<1x400xi32, #tpu.memory_space<vmem>>
    %dma_wait3A_354 = tpu.memref_squeeze %dma_wait3A_353 : memref<1x400xi32, #tpu.memory_space<vmem>> -> memref<400xi32, #tpu.memory_space<vmem>>
    %dma_wait3A_355 = arith.constant 320 : i32
    %dma_wait3A_356 = tpu.memref_slice %dma_wait3A_354[%dma_wait3A_355] : memref<400xi32, #tpu.memory_space<vmem>> -> memref<80xi32, #tpu.memory_space<vmem>>
    %dma_wait3A_357 = arith.constant 0 : i32
    %dma_wait3A_358 = arith.constant 0 : i32
    %dma_wait3A_359 = tpu.memref_slice %arg2[%dma_wait3A_357, %dma_wait3A_358] : memref<1000000x64xf32, #tpu.memory_space<hbm>> -> memref<1000000x64xf32, #tpu.memory_space<hbm>>
    tpu.wait_indirect_dma semaphore(%arg10 : memref<!tpu.dma_semaphore, #tpu.memory_space<semaphore_mem>>) src(%dma_wait3A_359 : memref<1000000x64xf32, #tpu.memory_space<hbm>>) dst(%dma_wait3A_351 : memref<80x64xf32, #tpu.memory_space<vmem>>)
    %add3A_360 = arith.constant 400 : i32
    %add3A_361 = arith.addi %add3A_94, %add3A_360 : i32
    %scan3A_362 = arith.constant 0 : i32
    %scan3A_363 = arith.constant 0 : i32
    %scan3A_364 = arith.constant 200 : i32
    %scan3A_365 = arith.addi %scan3A_363, %scan3A_364 : i32
    %scan3A_366 = arith.constant 1 : i32
    %scan3A_367 = scf.for %scan3A_370 = %scan3A_363 to %scan3A_365 step %scan3A_366 iter_args(%scan3A_371 = %scan3A_362) -> (i32)  : i32 {
      %get3A = arith.index_cast %scan3A_370 : i32 to index
      %get3A_372 = arith.constant 0 : index
      %get3A_373 = tpu.vector_load %arg8[%get3A, %get3A_372] {strides = array<i32>} : memref<200x64xf32, #tpu.memory_space<vmem>>, vector<1x16xf32>,
      %get3A_374 = vector.shape_cast %get3A_373 : vector<1x16xf32> to vector<16xf32>
      %add3A_375 = arith.constant 0 : i32
      %add3A_376 = arith.addi %add3A_375, %scan3A_370 : i32
      %swap3A = arith.constant 1 : i32
      %swap3A_377 = arith.index_cast %swap3A : i32 to index
      %swap3A_378 = arith.index_cast %add3A_376 : i32 to index
      %swap3A_379 = arith.constant 0 : index
      %swap3A_380 = tpu.vector_load %arg7[%swap3A_377, %swap3A_378, %swap3A_379] {strides = array<i32>} : memref<2x400x64xf32, #tpu.memory_space<vmem>>, vector<1x1x16xf32>,
      %swap3A_381 = vector.shape_cast %swap3A_380 : vector<1x1x16xf32> to vector<16xf32>
      %swap3A_382 = vector.shape_cast %get3A_374 : vector<16xf32> to vector<1x1x16xf32>
      tpu.vector_store %arg7[%swap3A_377, %swap3A_378, %swap3A_379], %swap3A_382 {add = true, strides = array<i32>} : memref<2x400x64xf32, #tpu.memory_space<vmem>>, vector<1x1x16xf32>,
      %add3A_383 = arith.constant 200 : i32
      %add3A_384 = arith.addi %add3A_383, %scan3A_370 : i32
      %swap3A_385 = arith.constant 1 : i32
      %swap3A_386 = arith.index_cast %swap3A_385 : i32 to index
      %swap3A_387 = arith.index_cast %add3A_384 : i32 to index
      %swap3A_388 = arith.constant 0 : index
      %swap3A_389 = tpu.vector_load %arg7[%swap3A_386, %swap3A_387, %swap3A_388] {strides = array<i32>} : memref<2x400x64xf32, #tpu.memory_space<vmem>>, vector<1x1x16xf32>,
      %swap3A_390 = vector.shape_cast %swap3A_389 : vector<1x1x16xf32> to vector<16xf32>
      %swap3A_391 = vector.shape_cast %get3A_374 : vector<16xf32> to vector<1x1x16xf32>
      tpu.vector_store %arg7[%swap3A_386, %swap3A_387, %swap3A_388], %swap3A_391 {add = true, strides = array<i32>} : memref<2x400x64xf32, #tpu.memory_space<vmem>>, vector<1x1x16xf32>,
      %get3A_392 = arith.index_cast %scan3A_370 : i32 to index
      %get3A_393 = arith.constant 16 : index
      %get3A_394 = tpu.vector_load %arg8[%get3A_392, %get3A_393] {strides = array<i32>} : memref<200x64xf32, #tpu.memory_space<vmem>>, vector<1x16xf32>,
      %get3A_395 = vector.shape_cast %get3A_394 : vector<1x16xf32> to vector<16xf32>
      %add3A_396 = arith.constant 0 : i32
      %add3A_397 = arith.addi %add3A_396, %scan3A_370 : i32
      %swap3A_398 = arith.constant 1 : i32
      %swap3A_399 = arith.index_cast %swap3A_398 : i32 to index
      %swap3A_400 = arith.index_cast %add3A_397 : i32 to index
      %swap3A_401 = arith.constant 16 : index
      %swap3A_402 = tpu.vector_load %arg7[%swap3A_399, %swap3A_400, %swap3A_401] {strides = array<i32>} : memref<2x400x64xf32, #tpu.memory_space<vmem>>, vector<1x1x16xf32>,
      %swap3A_403 = vector.shape_cast %swap3A_402 : vector<1x1x16xf32> to vector<16xf32>
      %swap3A_404 = vector.shape_cast %get3A_395 : vector<16xf32> to vector<1x1x16xf32>
      tpu.vector_store %arg7[%swap3A_399, %swap3A_400, %swap3A_401], %swap3A_404 {add = true, strides = array<i32>} : memref<2x400x64xf32, #tpu.memory_space<vmem>>, vector<1x1x16xf32>,
      %add3A_405 = arith.constant 200 : i32
      %add3A_406 = arith.addi %add3A_405, %scan3A_370 : i32
      %swap3A_407 = arith.constant 1 : i32
      %swap3A_408 = arith.index_cast %swap3A_407 : i32 to index
      %swap3A_409 = arith.index_cast %add3A_406 : i32 to index
      %swap3A_410 = arith.constant 16 : index
      %swap3A_411 = tpu.vector_load %arg7[%swap3A_408, %swap3A_409, %swap3A_410] {strides = array<i32>} : memref<2x400x64xf32, #tpu.memory_space<vmem>>, vector<1x1x16xf32>,
      %swap3A_412 = vector.shape_cast %swap3A_411 : vector<1x1x16xf32> to vector<16xf32>
      %swap3A_413 = vector.shape_cast %get3A_395 : vector<16xf32> to vector<1x1x16xf32>
      tpu.vector_store %arg7[%swap3A_408, %swap3A_409, %swap3A_410], %swap3A_413 {add = true, strides = array<i32>} : memref<2x400x64xf32, #tpu.memory_space<vmem>>, vector<1x1x16xf32>,
      %get3A_414 = arith.index_cast %scan3A_370 : i32 to index
      %get3A_415 = arith.constant 32 : index
      %get3A_416 = tpu.vector_load %arg8[%get3A_414, %get3A_415] {strides = array<i32>} : memref<200x64xf32, #tpu.memory_space<vmem>>, vector<1x16xf32>,
      %get3A_417 = vector.shape_cast %get3A_416 : vector<1x16xf32> to vector<16xf32>
      %add3A_418 = arith.constant 0 : i32
      %add3A_419 = arith.addi %add3A_418, %scan3A_370 : i32
      %swap3A_420 = arith.constant 1 : i32
      %swap3A_421 = arith.index_cast %swap3A_420 : i32 to index
      %swap3A_422 = arith.index_cast %add3A_419 : i32 to index
      %swap3A_423 = arith.constant 32 : index
      %swap3A_424 = tpu.vector_load %arg7[%swap3A_421, %swap3A_422, %swap3A_423] {strides = array<i32>} : memref<2x400x64xf32, #tpu.memory_space<vmem>>, vector<1x1x16xf32>,
      %swap3A_425 = vector.shape_cast %swap3A_424 : vector<1x1x16xf32> to vector<16xf32>
      %swap3A_426 = vector.shape_cast %get3A_417 : vector<16xf32> to vector<1x1x16xf32>
      tpu.vector_store %arg7[%swap3A_421, %swap3A_422, %swap3A_423], %swap3A_426 {add = true, strides = array<i32>} : memref<2x400x64xf32, #tpu.memory_space<vmem>>, vector<1x1x16xf32>,
      %add3A_427 = arith.constant 200 : i32
      %add3A_428 = arith.addi %add3A_427, %scan3A_370 : i32
      %swap3A_429 = arith.constant 1 : i32
      %swap3A_430 = arith.index_cast %swap3A_429 : i32 to index
      %swap3A_431 = arith.index_cast %add3A_428 : i32 to index
      %swap3A_432 = arith.constant 32 : index
      %swap3A_433 = tpu.vector_load %arg7[%swap3A_430, %swap3A_431, %swap3A_432] {strides = array<i32>} : memref<2x400x64xf32, #tpu.memory_space<vmem>>, vector<1x1x16xf32>,
      %swap3A_434 = vector.shape_cast %swap3A_433 : vector<1x1x16xf32> to vector<16xf32>
      %swap3A_435 = vector.shape_cast %get3A_417 : vector<16xf32> to vector<1x1x16xf32>
      tpu.vector_store %arg7[%swap3A_430, %swap3A_431, %swap3A_432], %swap3A_435 {add = true, strides = array<i32>} : memref<2x400x64xf32, #tpu.memory_space<vmem>>, vector<1x1x16xf32>,
      %get3A_436 = arith.index_cast %scan3A_370 : i32 to index
      %get3A_437 = arith.constant 48 : index
      %get3A_438 = tpu.vector_load %arg8[%get3A_436, %get3A_437] {strides = array<i32>} : memref<200x64xf32, #tpu.memory_space<vmem>>, vector<1x16xf32>,
      %get3A_439 = vector.shape_cast %get3A_438 : vector<1x16xf32> to vector<16xf32>
      %add3A_440 = arith.constant 0 : i32
      %add3A_441 = arith.addi %add3A_440, %scan3A_370 : i32
      %swap3A_442 = arith.constant 1 : i32
      %swap3A_443 = arith.index_cast %swap3A_442 : i32 to index
      %swap3A_444 = arith.index_cast %add3A_441 : i32 to index
      %swap3A_445 = arith.constant 48 : index
      %swap3A_446 = tpu.vector_load %arg7[%swap3A_443, %swap3A_444, %swap3A_445] {strides = array<i32>} : memref<2x400x64xf32, #tpu.memory_space<vmem>>, vector<1x1x16xf32>,
      %swap3A_447 = vector.shape_cast %swap3A_446 : vector<1x1x16xf32> to vector<16xf32>
      %swap3A_448 = vector.shape_cast %get3A_439 : vector<16xf32> to vector<1x1x16xf32>
      tpu.vector_store %arg7[%swap3A_443, %swap3A_444, %swap3A_445], %swap3A_448 {add = true, strides = array<i32>} : memref<2x400x64xf32, #tpu.memory_space<vmem>>, vector<1x1x16xf32>,
      %add3A_449 = arith.constant 200 : i32
      %add3A_450 = arith.addi %add3A_449, %scan3A_370 : i32
      %swap3A_451 = arith.constant 1 : i32
      %swap3A_452 = arith.index_cast %swap3A_451 : i32 to index
      %swap3A_453 = arith.index_cast %add3A_450 : i32 to index
      %swap3A_454 = arith.constant 48 : index
      %swap3A_455 = tpu.vector_load %arg7[%swap3A_452, %swap3A_453, %swap3A_454] {strides = array<i32>} : memref<2x400x64xf32, #tpu.memory_space<vmem>>, vector<1x1x16xf32>,
      %swap3A_456 = vector.shape_cast %swap3A_455 : vector<1x1x16xf32> to vector<16xf32>
      %swap3A_457 = vector.shape_cast %get3A_439 : vector<16xf32> to vector<1x1x16xf32>
      tpu.vector_store %arg7[%swap3A_452, %swap3A_453, %swap3A_454], %swap3A_457 {add = true, strides = array<i32>} : memref<2x400x64xf32, #tpu.memory_space<vmem>>, vector<1x1x16xf32>,
      %scan3A_458 = arith.constant 0 : i32
      scf.yield %scan3A_458 : i32
    }
    %scan3A_368 = arith.constant 200 : i32
    %run_scoped3A_369 = arith.constant 1 : i32
    "tpu.region"() ({
      %run_scoped3A_370 = tpu.sem_alloc : memref<!tpu.dma_semaphore, #tpu.memory_space<semaphore_mem>>
      %dma_start3A_371 = arith.constant 0 : i32
      %dma_start3A_372 = arith.constant 0 : i32
      %dma_start3A_373 = tpu.memref_slice %arg7[%run_scoped3A_369, %dma_start3A_371, %dma_start3A_372] : memref<2x400x64xf32, #tpu.memory_space<vmem>> -> memref<1x400x64xf32, #tpu.memory_space<vmem>>
      %dma_start3A_374 = tpu.memref_squeeze %dma_start3A_373 : memref<1x400x64xf32, #tpu.memory_space<vmem>> -> memref<400x64xf32, #tpu.memory_space<vmem>>
      %dma_start3A_375 = arith.constant 0 : i32
      %dma_start3A_376 = tpu.memref_slice %arg5[%add3A_361, %dma_start3A_375] : memref<819200x128xf32, #tpu.memory_space<hbm>> -> memref<400x128xf32, #tpu.memory_space<hbm>>
      %dma_start3A_377 = arith.constant 0 : i32
      %dma_start3A_378 = arith.constant 0 : i32
      %dma_start3A_379 = tpu.memref_slice %dma_start3A_376[%dma_start3A_377, %dma_start3A_378] : memref<400x128xf32, #tpu.memory_space<hbm>> -> memref<400x64xf32, #tpu.memory_space<hbm>>
      %dma_start3A_380 = arith.constant 0 : i32
      %dma_start3A_381 = tpu.memref_slice %arg5[%add3A_361, %dma_start3A_380] : memref<819200x128xf32, #tpu.memory_space<hbm>> -> memref<400x128xf32, #tpu.memory_space<hbm>>
      %dma_start3A_382 = arith.constant 0 : i32
      %dma_start3A_383 = arith.constant 0 : i32
      %dma_start3A_384 = tpu.memref_slice %dma_start3A_381[%dma_start3A_382, %dma_start3A_383] : memref<400x128xf32, #tpu.memory_space<hbm>> -> memref<400x64xf32, #tpu.memory_space<hbm>>
      %dma_start3A_385 = arith.constant 0 : i32
      %dma_start3A_386 = arith.constant 0 : i32
      %dma_start3A_387 = tpu.memref_slice %arg7[%run_scoped3A_369, %dma_start3A_385, %dma_start3A_386] : memref<2x400x64xf32, #tpu.memory_space<vmem>> -> memref<1x400x64xf32, #tpu.memory_space<vmem>>
      %dma_start3A_388 = tpu.memref_squeeze %dma_start3A_387 : memref<1x400x64xf32, #tpu.memory_space<vmem>> -> memref<400x64xf32, #tpu.memory_space<vmem>>
      tpu.enqueue_dma source(%dma_start3A_388 : memref<400x64xf32, #tpu.memory_space<vmem>>) target(%dma_start3A_384 : memref<400x64xf32, #tpu.memory_space<hbm>>) target_semaphore(%run_scoped3A_370 : memref<!tpu.dma_semaphore, #tpu.memory_space<semaphore_mem>>)
      %dma_wait3A_389 = arith.constant 0 : i32
      %dma_wait3A_390 = arith.constant 0 : i32
      %dma_wait3A_391 = tpu.memref_slice %arg7[%run_scoped3A_369, %dma_wait3A_389, %dma_wait3A_390] : memref<2x400x64xf32, #tpu.memory_space<vmem>> -> memref<1x400x64xf32, #tpu.memory_space<vmem>>
      %dma_wait3A_392 = tpu.memref_squeeze %dma_wait3A_391 : memref<1x400x64xf32, #tpu.memory_space<vmem>> -> memref<400x64xf32, #tpu.memory_space<vmem>>
      %dma_wait3A_393 = arith.constant 0 : i32
      %dma_wait3A_394 = tpu.memref_slice %arg5[%add3A_361, %dma_wait3A_393] : memref<819200x128xf32, #tpu.memory_space<hbm>> -> memref<400x128xf32, #tpu.memory_space<hbm>>
      %dma_wait3A_395 = arith.constant 0 : i32
      %dma_wait3A_396 = arith.constant 0 : i32
      %dma_wait3A_397 = tpu.memref_slice %dma_wait3A_394[%dma_wait3A_395, %dma_wait3A_396] : memref<400x128xf32, #tpu.memory_space<hbm>> -> memref<400x64xf32, #tpu.memory_space<hbm>>
      %dma_wait3A_398 = arith.constant 0 : i32
      %dma_wait3A_399 = tpu.memref_slice %arg5[%add3A_361, %dma_wait3A_398] : memref<819200x128xf32, #tpu.memory_space<hbm>> -> memref<400x128xf32, #tpu.memory_space<hbm>>
      %dma_wait3A_400 = arith.constant 0 : i32
      %dma_wait3A_401 = arith.constant 0 : i32
      %dma_wait3A_402 = tpu.memref_slice %dma_wait3A_399[%dma_wait3A_400, %dma_wait3A_401] : memref<400x128xf32, #tpu.memory_space<hbm>> -> memref<400x64xf32, #tpu.memory_space<hbm>>
      %dma_wait3A_403 = arith.constant 0 : i32
      %dma_wait3A_404 = arith.constant 0 : i32
      %dma_wait3A_405 = tpu.memref_slice %arg7[%run_scoped3A_369, %dma_wait3A_403, %dma_wait3A_404] : memref<2x400x64xf32, #tpu.memory_space<vmem>> -> memref<1x400x64xf32, #tpu.memory_space<vmem>>
      %dma_wait3A_406 = tpu.memref_squeeze %dma_wait3A_405 : memref<1x400x64xf32, #tpu.memory_space<vmem>> -> memref<400x64xf32, #tpu.memory_space<vmem>>
      tpu.wait_dma2 semaphore(%run_scoped3A_370 : memref<!tpu.dma_semaphore, #tpu.memory_space<semaphore_mem>>) src(%dma_wait3A_406 : memref<400x64xf32, #tpu.memory_space<vmem>>) dst(%dma_wait3A_402 : memref<400x64xf32, #tpu.memory_space<hbm>>)
      tpu.yield
    }) : () -> ()
    return
  }
}

</mosaic_0001>

<sc_bundles>
// kernel: kernel.3.cloned.1.call-start
scs
__scs_entry_jumppad:
0x0: {  	(pc) =	sbr.rel $0x88, $3  }
0x1: {  	(tag) =	ssettag $0x0;
	lr =	simm.s32 $0x1  }
0x2: {  	[smem:$0x3F9F] =	sst lr;
	_ =	strace $0xD0000000  }
0x3: {  	_ = 	snop  }
0x4: {  	_ = 	snop  }
0x5: {  	_ = 	snop  }
0x6: {  	_ = 	snop  }
0x7: {  	_ = 	snop  }
__scs_overlays_trampoline_lowered:
0x8: {  	[smem:$0x3FAE] =	sst s0  }
0x9: {  	[smem:$0x3FAF] =	sst s1  }
0xa: {  	[smem:$0x3FB0] =	sst s2  }
0xb: {  	[smem:$0x3FB1] =	sst s3  }
0xc: {  	[smem:$0x3FB2] =	sst s4  }
0xd: {  	[smem:$0x3FB3] =	sst s5  }
0xe: {  	[smem:$0x3FB4] =	sst s6  }
0xf: {  	[smem:$0x3FB5] =	sst s7  }
0x10: {  	[smem:$0x3FB6] =	sst s8  }
0x11: {  	[smem:$0x3FB7] =	sst s9;
	s0 =	simm.s32 @!p0 $0x0  }
0x12: {  	s1 =	sld [smem:$0x3F9D];
	s0 =	simm.s32 @p0 $0x1  }
0x13: {  	[smem:$0x3FB8] =	sst s0;
	s0 =	simm.s32 @!p1 $0x0  }
0x14: {  	s2 =	sld [smem:$0x3F9C];
	s0 =	simm.s32 @p1 $0x1  }
0x15: {  	[smem:$0x3FB9] =	sst s0;
	s0 =	simm.s32 @!p2 $0x0  }
0x16: {  	s3 =	sld [smem:$0x3FDB];
	s0 =	simm.s32 @p2 $0x1  }
0x17: {  	s4 =	simm.s32 $0x1BF5;
	[smem:$0x3FBB] =	sst s0  }
0x18: {  	s0 =	sld [smem:$0x3F9E];
	_ =	swait.ge [sflag:s4], $0x0  }
0x19: {  	s7 =	sld [smem:$0x3F9F]  }
0x1a: {  	s8 =	sadd.s32 $0xFFFFE003, lr  }
0x1b: {  	s9 =	sadd.s32 $0xFFFFFEF7, lr;
	s5 =	simm.s32 $0xFFFFFFFF;
	p2 =	slt.u32 s8, $0xFFFFF086  }
0x1c: {  	p1 =	slt.u32 s9, $0xF7A;
	s5 =	simm.s32 @!p2 $0x0  }
0x1d: {  	s5 =	simm.s32 @p1 $0x1;
	p0 =	seq.s32 s7, s2  }
0x1e: {  	s7 =	smul.u32 @!p0 $0xF7A, s2;
	p2 =	seq.s32 @!p0 s5, $0x0  }
0x1f: {  	s9 =	smul.u32 $0xF7A, s1;
	s8 =	simm.s32 @!p0 $0x1BF5;
	p2 =	por !p2, p0  }
0x20: {  	[sflag:s8] =	ssyncset.s32 @!p0 $0xFFFFF086;
	s6 =	sadd.s32 @!p0 s3, s7;
	s7 =	simm.s32 @!p0 $0x108  }
0x21: {  	s3 =	sadd.s32 s3, s9;
	s6 =	sadd.s32 @!p0 $0x88, s6;
	s7 =	simm.s32 @p2 $0x1082  }
0x22: {  	[simem:s7], [sflag:s8] =	dma.local @!p0 [hbm:s6], $0xF7A  }
0x23: {  	s9 =	sor.u32 $0xD0000000, s2;
	s6 =	simm.s32 $0x108;
	_ =	swait.ge @!p0 [sflag:s8], $0x0  }
0x24: {  	s3 =	sadd.s32 $0x88, s3;
	s6 =	simm.s32 @!p1 $0x1082;
	[sflag:s4] =	ssyncset.s32 $0xFFFFF086  }
0x25: {  	[simem:s6], [sflag:s4] =	dma.local [hbm:s3], $0xF7A  }
0x26: {  	[smem:$0x3F9F] =	sst s1;
	(tag) =	ssettag s2;
	_ =	strace s9  }
0x27: {  	s1 =	sld [smem:$0x3FAF]  }
0x28: {  	s2 =	sld [smem:$0x3FB0]  }
0x29: {  	s4 =	sld [smem:$0x3FB2]  }
0x2a: {  	p0 =	seq.s32 s5, $0x0;
	s5 =	sld [smem:$0x3FB3]  }
0x2b: {  	s6 =	sld [smem:$0x3FB4]  }
0x2c: {  	s7 =	sld [smem:$0x3FB5]  }
0x2d: {  	s3 =	simm.s32 $0x108;
	s8 =	sld [smem:$0x3FB6]  }
0x2e: {  	s3 =	simm.s32 @!p0 $0x1082;
	s9 =	sld [smem:$0x3FB7]  }
0x2f: {  	lr =	sadd.s32 s0, s3;
	s0 =	sld [smem:$0x3FAE]  }
0x30: {  	s3 =	sld [smem:$0x3FB1]  }
0x31: {  	[smem:$0x3FBA] =	sst s10  }
0x32: {  	s10 =	sld [smem:$0x3FB8];
	_ =	sdelay $0x3  }
0x33: {  	p0 =	seq.s32 s10, $0x1;
	s10 =	sld [smem:$0x3FBA];
	_ =	sdelay $0x3  }
0x34: {  	[smem:$0x3FBA] =	sst s10  }
0x35: {  	s10 =	sld [smem:$0x3FB9];
	_ =	sdelay $0x3  }
0x36: {  	p1 =	seq.s32 s10, $0x1;
	s10 =	sld [smem:$0x3FBA];
	_ =	sdelay $0x3  }
0x37: {  	[smem:$0x3FBA] =	sst s10  }
0x38: {  	s10 =	sld [smem:$0x3FBB]  }
0x39: {  	_ = 	snop;
	(pc) =	sbr.ind lr, $3  }
0x3a: {  	_ = 	snop  }
0x3b: {  	_ = 	snop  }
0x3c: {  	p2 =	seq.s32 s10, $0x1;
	s10 =	sld [smem:$0x3FBA]  }
0x3d: {  	_ =	shalt  }
0x3e: {  	_ =	shalt  }
0x3f: {  	_ =	shalt  }
0x40: {  	_ =	shalt  }
0x41: {  	_ =	shalt  }
0x42: {  	_ =	shalt  }
0x43: {  	_ =	shalt  }
0x44: {  	_ =	shalt  }
0x45: {  	_ =	shalt  }
0x46: {  	_ =	shalt  }
0x47: {  	_ =	shalt  }
0x48: {  	_ =	shalt  }
0x49: {  	_ =	shalt  }
0x4a: {  	_ =	shalt  }
0x4b: {  	_ =	shalt  }
0x4c: {  	_ =	shalt  }
0x4d: {  	_ =	shalt  }
0x4e: {  	_ =	shalt  }
0x4f: {  	_ =	shalt  }
0x50: {  	_ =	shalt  }
0x51: {  	_ =	shalt  }
0x52: {  	_ =	shalt  }
0x53: {  	_ =	shalt  }
0x54: {  	_ =	shalt  }
0x55: {  	_ =	shalt  }
0x56: {  	_ =	shalt  }
0x57: {  	_ =	shalt  }
0x58: {  	_ =	shalt  }
0x59: {  	_ =	shalt  }
0x5a: {  	_ =	shalt  }
0x5b: {  	_ =	shalt  }
0x5c: {  	_ =	shalt  }
0x5d: {  	_ =	shalt  }
0x5e: {  	_ =	shalt  }
0x5f: {  	_ =	shalt  }
0x60: {  	_ =	shalt  }
0x61: {  	_ =	shalt  }
0x62: {  	_ =	shalt  }
0x63: {  	_ =	shalt  }
0x64: {  	_ =	shalt  }
0x65: {  	_ =	shalt  }
0x66: {  	_ =	shalt  }
0x67: {  	_ =	shalt  }
0x68: {  	_ =	shalt  }
0x69: {  	_ =	shalt  }
0x6a: {  	_ =	shalt  }
0x6b: {  	_ =	shalt  }
0x6c: {  	_ =	shalt  }
0x6d: {  	_ =	shalt  }
0x6e: {  	_ =	shalt  }
0x6f: {  	_ =	shalt  }
0x70: {  	_ =	shalt  }
0x71: {  	_ =	shalt  }
0x72: {  	_ =	shalt  }
0x73: {  	_ =	shalt  }
0x74: {  	_ =	shalt  }
0x75: {  	_ =	shalt  }
0x76: {  	_ =	shalt  }
0x77: {  	_ =	shalt  }
0x78: {  	_ =	shalt  }
0x79: {  	_ =	shalt  }
0x7a: {  	_ =	shalt  }
0x7b: {  	_ =	shalt  }
0x7c: {  	_ =	shalt  }
0x7d: {  	_ =	shalt  }
0x7e: {  	_ =	shalt  }
0x7f: {  	_ =	shalt  }
0x80: {  	_ =	shalt  }
0x81: {  	_ =	shalt  }
0x82: {  	_ =	shalt  }
0x83: {  	_ =	shalt  }
0x84: {  	_ =	shalt  }
0x85: {  	_ =	shalt  }
0x86: {  	_ =	shalt  }
0x87: {  	_ =	shalt  }
.Lfunc_end0:
.L_simem_size_0:
called_computation.1_lowered:
.L_overlay_start_0:
0x88: {  	s2 =	sld [smem:$0x3FD9]  }
0x89: {  	s3 =	sld [smem:$0x3FFE];
	_ =	sdelay $0x1  }
0x8a: {  	s1 =	srdreg.scid  }
0x8b: {  	s0 =	sand.u32 $0x1, s1  }
0x8c: {  	s17 =	sshll.u32 s0, $0xA;
	s2 =	sadd.s32 s3, s2  }
0x8d: {  	s2 =	sadd.s32 s2, s17  }
0x8e: {  	[smem:$0x3FC6] =	sst s2  }
0x8f: {  	_ = 	snop  }
0x90: {  	s2 =	sld [smem:$0x3FD0];
	(tm) =	ssettm $0x1  }
0x91: {  	s18 =	sld [smem:$0x3FFB];
	_ =	sdelay $0x3  }
0x92: {  	_ =	strace s18  }
0x93: {  	s3 =	sld [smem:$0x3FFC];
	_ =	sdelay $0x3  }
0x94: {  	_ =	strace s3  }
0x95: {  	s3 =	sld [smem:$0x3FFD];
	_ =	sdelay $0x3  }
0x96: {  	_ =	strace s3  }
0x97: {  	_ =	strace $0x8FFFFFFF  }
0x98: {  	s19 =	sld [smem:$0x3FDB];
	_ =	sdelay $0x1  }
0x99: {  	s4 =	simm.s32 $_scs_section_size  }
0x9a: {  	s5 =	simm.s32 $_size__tile_overlayer_lowered;
	s6 =	simm.s32 $_tile_overlayer_lowered  }
0x9b: {  	s22 =	simm.s32 $0x1BFF;
	s21 =	sshll.u32 s6, $0x1;
	s3 =	sadd.s32 s4, s19  }
0x9c: {  	s7 =	simm.s32 $0x0;
	s20 =	sshll.u32 s5, $0x1;
	s5 =	sadd.s32 s21, s3  }
0x9d: {  	[timem:s7], [sflag:s22] =	dma.local [hbm:s5], s20  }
0x9e: {  	_ =	swait.ge [sflag:s22], s20  }
0x9f: {  	s4 =	ssub.s32 $0x0, s20;
	[sflag:s22] =	ssyncset.done $0x0  }
0xa0: {  	[sflag:s22] =	ssyncadd.s32 s4;
	_ =	sdelay $0x1  }
0xa1: {  	s23 =	simm.s32 $0x1B8B  }
0xa2: {  	_ =	swait.ge [sflag:s23], $0x1  }
0xa3: {  	[sflag:s23] =	ssyncset.done $0x0  }
0xa4: {  	s25 =	simm.s32 $0x1B8E;
	s24 =	sld [smem:$0x3FFE];
	[sflag:s23] =	ssyncadd.s32 $0xFFFFFFFF  }
0xa5: {  	s26 =	simm.s32 $execute0_lowered;
	[smem:$0x3FD2] =	sst s25  }
0xa6: {  	s5 =	sshll.u32 s26, $0x1;
	_ =	strace $0x80000046;
	[dreg:$0x1] =	wrdreg $0xFFFFFFFF  }
0xa7: {  	s28 =	simm.s32 $_size_execute0_lowered;
	s3 =	sadd.s32 s3, s5;
	[dreg:$0x0] =	wrdreg $0x0  }
0xa8: {  	s5 =	sshll.u32 s28, $0x1;
	[dreg:$0x2] =	wrdreg s3  }
0xa9: {  	[dreg:$0x3] =	wrdreg s5  }
0xaa: {  	[dreg:$0x4] =	wrdreg $0xC0  }
0xab: {  	_ =	task [dreg:s7], $0x5FFFF  }
0xac: {  	[dreg:$0x1] =	wrdreg $0xFFFFFFFF  }
0xad: {  	[dreg:$0x0] =	wrdreg $0x60  }
0xae: {  	[dreg:$0x2] =	wrdreg s24  }
0xaf: {  	[dreg:$0x3] =	wrdreg s2  }
0xb0: {  	[dreg:$0x4] =	wrdreg $0x9  }
0xb1: {  	_ =	task.clear_ibuf [dreg:s7], $0x5FFFF;
	_ =	strace $0x90000046  }
0xb2: {  	s29 =	simm.s32 $0x9;
	_ =	strace $0x80000048  }
0xb3: {  	_ =	swait.ge [sflag:s29], $0x1  }
0xb4: {  	[sflag:s29] =	ssyncadd.s32 $0xFFFFFFFF  }
0xb5: {  	_ =	strace $0x90000048  }
0xb6: {  	_ =	sfence  }
0xb7: {  	s30 =	sld [smem:$0x0];
	_ =	sdelay $0x2  }
0xb8: {  	s31 =	sshll.u32 s1, $0xD;
	s1 =	sshrl.u32 s1, $0x2  }
0xb9: {  	s3 =	sand.u32 $0x4000, s31;
	s1 =	sadd.s32 s1, s30  }
0xba: {  	s0 =	sor.u32 s3, s0;
	s1 =	sshll.u32 s1, $0x11  }
0xbb: {  	s0 =	sor.u32 s1, s0  }
0xbc: {  	s0 =	sadd.s32 $0x8F2B, s0  }
0xbd: {  	[sflag:s0] =	ssyncadd.remote.s32 $0x1  }
0xbe: {  	_ =	sfence.sel $0xFFFF  }
0xbf: {  	[dreg:$0x0] =	wrdreg $0xFFFFFFFF;
	(pc) =	sbr.abs _section_cstart, $3  }
0xc0: {  	[dreg:$0x1] =	wrdreg $0xFFFFFFFF  }
0xc1: {  	_ =	task.clear_ibuf [dreg:s7], $0x2FFFF;
	_ =	strace $0x9FFFFFFF  }
0xc2: {  	(tm) =	ssettm $0x7FFFFFFF  }
0xc3: {  	_ =	shalt  }
tec
execute0_lowered:
.L_overlay_start_1:
0x0: {  	(tag) =	ssettag $0x1  }
0x1: {  	s0 =	rddreg [dreg:$0x0]  }
0x2: {  	s2 =	rddreg [dreg:$0x1];
	s4 =	simm.s32 $0x0  }
0x3: {  	s1 =	srdreg.scid;
	s3 =	stileid.u32;
	s14 =	simm.s32 $0x3  }
0x4: {  	s15 =	simm.s32 $0x50;
	s16 =	simm.s32 $0x320;
	s20 =	simm.s32 $0xF0  }
0x5: {  	s21 =	simm.s32 $0x3F20;
	s28 =	simm.s32 $0x7B20;
	s29 =	simm.s32 $0x230  }
0x6: {  	s30 =	simm.s32 $0x8F20;
	s31 =	simm.s32 $0x280;
	s13 =	simm.s32 $0xB720  }
0x7: {  	s8 =	simm.s32 $0x40;
	s9 =	simm.s32 $0x80;
	s10 =	simm.s32 $0x2  }
0x8: {  	s11 =	simm.s32 $0x0;
	[smem:$0x7FF] =	sst s4;
	s1 =	sand.u32 $0x1, s1  }
0x9: {  	s3 =	sshll.u32 s3, $0x1;
	s4 =	sadd.s32 $0xF43000, s0;
	s6 =	sadd.s32 $0xC00, s0  }
0xa: {  	s7 =	sadd.s32 $0x1400, s0;
	s3 =	sor.u32 s1, s3;
	s1 =	ssub.s32 $0x2, s1  }
0xb: {  	_ =	strace $0x80000047;
	s5 =	smul.u32 $0x6400, s3;
	s22 =	sshrl.u32 s1, $0x1  }
0xc: {  	[dreg:$0x3] =	wrdreg s6;
	s3 =	smul.u32 $0x320000, s3;
	s23 =	ssub.s32 s1, s22  }
0xd: {  	s22 =	simm.s32 $0x140;
	s24 =	sshrl.u32 s5, $0x3;
	s25 =	sadd.s32 $0x6270, s5  }
0xe: {  	s3 =	sshrl.u32 s3, $0x3;
	s0 =	smax.u32 s23, $0x1;
	s23 =	simm.s32 $0x5320  }
0xf: {  	s1 =	sadd.s32 s2, s24;
	s26 =	sshrl.u32 s25, $0x3;
	s3 =	sadd.s32 s7, s3  }
0x10: {  	[dreg:$0x8] =	wrdreg s0;
	s24 =	simm.s32 $0x190;
	s0 =	simm.s32 $0xA320  }
0x11: {  	[dreg:$0x4] =	wrdreg s1;
	s1 =	sshll.u32 s25, $0x4;
	s6 =	sadd.s32 s2, s26  }
0x12: {  	s3 =	sadd.s32 $0x60E00, s3;
	s25 =	simm.s32 $0x6720;
	[dreg:$0x5] =	wrdreg s6  }
0x13: {  	s26 =	simm.s32 $0x1E0;
	[dreg:$0x6] =	wrdreg s3;
	s1 =	sadd.s32 s7, s1  }
0x14: {  	s6 =	simm.s32 $0x1;
	[dreg:$0x7] =	wrdreg s1;
	s1 =	simm.s32 $0x2D0  }
.LBB2_1:
0x15: {  	[dreg:$0x9] =	wrdreg s11  }
0x16: {  	s3 =	simm.s32 $0x0;
	s19 =	rddreg [dreg:$0x3];
	s12 =	simm.s32 $0xCB20  }
0x17: {  	[tilespmem:s12], [sflag:$0x3] =	stream.linear.gather [hbm4b:s19+s3], $0x3200, $0x38;
	[tilespmem:$0xFD20] =	vst v63  }
0x18: {  	_ =	swait.ge [sflag:s14], $0x3200  }
0x19: {  	[sflag:s14] =	ssyncset.done $0x0  }
0x1a: {  	s12 =	rddreg [dreg:$0x4];
	[sflag:s14] =	ssyncadd.s32 $0xFFFFCE00  }
0x1b: {  	[tilespmem:s3], [sflag:$0x3] =	stream.linear.gather [hbm4b:s12+s3], $0x190, $0x38;
	[tilespmem:$0xFD20] =	vst v63  }
0x1c: {  	_ =	swait.ge [sflag:s14], $0x190  }
0x1d: {  	[sflag:s14] =	ssyncset.done $0x0  }
0x1e: {  	[sflag:s14] =	ssyncadd.s32 $0xFFFFFE70  }
0x1f: {  	[tilespmem:s16], [sflag:$0x1] =	stream.indirect.gather [hbm4b:s4+s15], $0x40, s3, s15, $0xb8;
	[tilespmem:$0xFD20] =	vst v63  }
0x20: {  	s17 =	simm.s32 $0x1720  }
0x21: {  	[tilespmem:s17], [sflag:$0x1] =	stream.indirect.gather [hbm4b:s4+s15], $0x40, s15, s15, $0xb8;
	[tilespmem:$0xFD20] =	vst v63  }
0x22: {  	s18 =	simm.s32 $0xA0;
	s19 =	simm.s32 $0x2B20  }
0x23: {  	[tilespmem:s19], [sflag:$0x1] =	stream.indirect.gather [hbm4b:s4+s15], $0x40, s18, s15, $0xb8;
	[tilespmem:$0xFD20] =	vst v63  }
0x24: {  	_ = 	snop  }
0x25: {  	[tilespmem:s21], [sflag:$0x1] =	stream.indirect.gather [hbm4b:s4+s15], $0x40, s20, s15, $0xb8;
	[tilespmem:$0xFD20] =	vst v63  }
0x26: {  	s12 =	simm.s32 $0x0  }
0x27: {  	[tilespmem:s23], [sflag:$0x1] =	stream.indirect.gather [hbm4b:s4+s15], $0x40, s22, s15, $0xb8;
	[tilespmem:$0xFD20] =	vst v63  }
.LBB2_2:
0x28: {  	s3 =	smul.u32 $0x320, s12;
	_ =	sdelay $0x1  }
0x29: {  	s11 =	sadd.s32 s5, s3  }
0x2a: {  	s3 =	sadd.s32 $0x190, s11  }
0x2b: {  	s17 =	sshrl.u32 s3, $0x3  }
0x2c: {  	s18 =	simm.s32 $0x0;
	s17 =	sadd.s32 s2, s17  }
0x2d: {  	[tilespmem:s24], [sflag:$0x3] =	stream.linear.gather [hbm4b:s17+s18], $0x190, $0x38;
	[tilespmem:$0xFD20] =	vst v63  }
0x2e: {  	_ =	swait.ge [sflag:s14], $0x190  }
0x2f: {  	[sflag:s14] =	ssyncset.done $0x0  }
0x30: {  	[sflag:s14] =	ssyncadd.s32 $0xFFFFFE70  }
0x31: {  	[tilespmem:s25], [sflag:$0x2] =	stream.indirect.gather [hbm4b:s4+s15], $0x40, s24, s15, $0xb8;
	[tilespmem:$0xFD20] =	vst v63  }
0x32: {  	_ = 	snop  }
0x33: {  	[tilespmem:s28], [sflag:$0x2] =	stream.indirect.gather [hbm4b:s4+s15], $0x40, s26, s15, $0xb8;
	[tilespmem:$0xFD20] =	vst v63  }
0x34: {  	_ = 	snop  }
0x35: {  	[tilespmem:s30], [sflag:$0x2] =	stream.indirect.gather [hbm4b:s4+s15], $0x40, s29, s15, $0xb8;
	[tilespmem:$0xFD20] =	vst v63  }
0x36: {  	_ = 	snop  }
0x37: {  	[tilespmem:s0], [sflag:$0x2] =	stream.indirect.gather [hbm4b:s4+s15], $0x40, s31, s15, $0xb8;
	[tilespmem:$0xFD20] =	vst v63  }
0x38: {  	_ = 	snop  }
0x39: {  	[tilespmem:s13], [sflag:$0x2] =	stream.indirect.gather [hbm4b:s4+s15], $0x40, s1, s15, $0xb8;
	[tilespmem:$0xFD20] =	vst v63  }
0x3a: {  	_ =	swait.ge [sflag:s6], $0x1400  }
0x3b: {  	[sflag:s6] =	ssyncset.done $0x0  }
0x3c: {  	[sflag:s6] =	ssyncadd.s32 $0xFFFFEC00  }
0x3d: {  	_ =	swait.ge [sflag:s6], $0x1400  }
0x3e: {  	[sflag:s6] =	ssyncset.done $0x0  }
0x3f: {  	[sflag:s6] =	ssyncadd.s32 $0xFFFFEC00  }
0x40: {  	_ =	swait.ge [sflag:s6], $0x1400  }
0x41: {  	[sflag:s6] =	ssyncset.done $0x0  }
0x42: {  	[sflag:s6] =	ssyncadd.s32 $0xFFFFEC00  }
0x43: {  	_ =	swait.ge [sflag:s6], $0x1400  }
0x44: {  	[sflag:s6] =	ssyncset.done $0x0  }
0x45: {  	[sflag:s6] =	ssyncadd.s32 $0xFFFFEC00  }
0x46: {  	_ =	swait.ge [sflag:s6], $0x1400  }
0x47: {  	[sflag:s6] =	ssyncset.done $0x0  }
0x48: {  	s17 =	simm.s32 $0x0;
	[sflag:s6] =	ssyncadd.s32 $0xFFFFEC00  }
0x49: {  	v0 =	vld [tilespmem:s17+$0xCB50]  }
0x4a: {  	v1 =	vld [tilespmem:s17+$0xCB20];
	_ =	sdelay $0x1  }
0x4b: {  	v2 =	vld [tilespmem:s17+$0xCB30]  }
0x4c: {  	v3 =	vld [tilespmem:s17+$0xCB40]  }
0x4d: {  	[tilespmem:s17+$0x3550] =	vst.add.f32.msk $0xffff, v0  }
0x4e: {  	[tilespmem:s17+$0x320] =	vst.add.f32.msk $0xffff, v1  }
0x4f: {  	[tilespmem:s17+$0x3520] =	vst.add.f32.msk $0xffff, v1  }
0x50: {  	[tilespmem:s17+$0x330] =	vst.add.f32.msk $0xffff, v2  }
0x51: {  	[tilespmem:s17+$0x3530] =	vst.add.f32.msk $0xffff, v2  }
0x52: {  	[tilespmem:s17+$0x340] =	vst.add.f32.msk $0xffff, v3  }
0x53: {  	s19 =	simm.s32 $0x200;
	s18 =	simm.s32 $0x40;
	[tilespmem:s17+$0x3540] =	vst.add.f32.msk $0xffff, v3  }
.LBB2_3:
0x54: {  	p0 =	sne.s32 s19, $0xC700;
	v1 =	vld [tilespmem:s18+$0xCB50]  }
0x55: {  	v2 =	vld [tilespmem:s18+$0xCB20]  }
0x56: {  	v3 =	vld [tilespmem:s18+$0xCB30]  }
0x57: {  	v4 =	vld [tilespmem:s18+$0xCB40]  }
0x58: {  	[tilespmem:s17+$0x350] =	vst.add.f32.msk $0xffff, v0;
	s17 =	smov.u32 s18  }
0x59: {  	[tilespmem:s17+$0x3550] =	vst.add.f32.msk $0xffff, v1;
	v0 =	vmov v1  }
0x5a: {  	[tilespmem:s17+$0x320] =	vst.add.f32.msk $0xffff, v2  }
.Ltmp0:
0x5b: {  	[tilespmem:s17+$0x3520] =	vst.add.f32.msk $0xffff, v2;
	(pc) =	sbr.rel @p0 .LBB2_3-.Ltmp0, $4  }
0x5c: {  	[tilespmem:s17+$0x330] =	vst.add.f32.msk $0xffff, v3  }
0x5d: {  	[tilespmem:s17+$0x3530] =	vst.add.f32.msk $0xffff, v3  }
0x5e: {  	[tilespmem:s17+$0x340] =	vst.add.f32.msk $0xffff, v4  }
0x5f: {  	s18 =	sshra.s32 s19, $0x2;
	s19 =	sadd.s32 $0x100, s19;
	[tilespmem:s17+$0x3540] =	vst.add.f32.msk $0xffff, v4  }
0x60: {  	v1 =	vld [tilespmem:s18+$0xCB50]  }
0x61: {  	v2 =	vld [tilespmem:s18+$0xCB20]  }
0x62: {  	v3 =	vld [tilespmem:s18+$0xCB30]  }
0x63: {  	v4 =	vld [tilespmem:s18+$0xCB40]  }
0x64: {  	[tilespmem:s17+$0x350] =	vst.add.f32.msk $0xffff, v0  }
0x65: {  	[tilespmem:s18+$0x3550] =	vst.add.f32.msk $0xffff, v1  }
0x66: {  	[tilespmem:s18+$0x320] =	vst.add.f32.msk $0xffff, v2  }
0x67: {  	[tilespmem:s18+$0x3520] =	vst.add.f32.msk $0xffff, v2  }
0x68: {  	[tilespmem:s18+$0x330] =	vst.add.f32.msk $0xffff, v3  }
0x69: {  	[tilespmem:s18+$0x3530] =	vst.add.f32.msk $0xffff, v3  }
0x6a: {  	[tilespmem:s18+$0x340] =	vst.add.f32.msk $0xffff, v4  }
0x6b: {  	s19 =	sshll.u32 s11, $0x4;
	[tilespmem:s18+$0x3540] =	vst.add.f32.msk $0xffff, v4  }
0x6c: {  	s17 =	sadd.s32 s7, s19;
	[tilespmem:s18+$0x350] =	vst.add.f32.msk $0xffff, v1  }
0x6d: {  	[hbm4b:s17+s8] =	stream.strided.scatter [tilespmem:s16], [sflag:$0x3], $0x6400, s9, s8, $0x38;
	[tilespmem:$0xFD20] =	vst v63  }
0x6e: {  	s18 =	sshrl.u32 s11, $0x3;
	_ =	swait.ge [sflag:s14], $0x6400  }
0x6f: {  	s11 =	sadd.s32 s2, s18;
	[sflag:s14] =	ssyncset.done $0x0  }
0x70: {  	s19 =	simm.s32 $0x0;
	s11 =	sadd.s32 $0x64, s11;
	[sflag:s14] =	ssyncadd.s32 $0xFFFF9C00  }
0x71: {  	[tilespmem:s19], [sflag:$0x3] =	stream.linear.gather [hbm4b:s11+s19], $0x190, $0x38;
	[tilespmem:$0xFD20] =	vst v63  }
0x72: {  	_ =	swait.ge [sflag:s14], $0x190  }
0x73: {  	[sflag:s14] =	ssyncset.done $0x0  }
0x74: {  	[sflag:s14] =	ssyncadd.s32 $0xFFFFFE70  }
0x75: {  	[tilespmem:s16], [sflag:$0x1] =	stream.indirect.gather [hbm4b:s4+s15], $0x40, s19, s15, $0xb8;
	[tilespmem:$0xFD20] =	vst v63  }
0x76: {  	s17 =	simm.s32 $0x1720  }
0x77: {  	[tilespmem:s17], [sflag:$0x1] =	stream.indirect.gather [hbm4b:s4+s15], $0x40, s15, s15, $0xb8;
	[tilespmem:$0xFD20] =	vst v63  }
0x78: {  	s18 =	simm.s32 $0xA0;
	s19 =	simm.s32 $0x2B20  }
0x79: {  	[tilespmem:s19], [sflag:$0x1] =	stream.indirect.gather [hbm4b:s4+s15], $0x40, s18, s15, $0xb8;
	[tilespmem:$0xFD20] =	vst v63  }
0x7a: {  	_ = 	snop  }
0x7b: {  	[tilespmem:s21], [sflag:$0x1] =	stream.indirect.gather [hbm4b:s4+s15], $0x40, s20, s15, $0xb8;
	[tilespmem:$0xFD20] =	vst v63  }
0x7c: {  	_ = 	snop  }
0x7d: {  	[tilespmem:s23], [sflag:$0x1] =	stream.indirect.gather [hbm4b:s4+s15], $0x40, s22, s15, $0xb8;
	[tilespmem:$0xFD20] =	vst v63  }
0x7e: {  	_ =	swait.ge [sflag:s10], $0x1400  }
0x7f: {  	[sflag:s10] =	ssyncset.done $0x0  }
0x80: {  	[sflag:s10] =	ssyncadd.s32 $0xFFFFEC00  }
0x81: {  	_ =	swait.ge [sflag:s10], $0x1400  }
0x82: {  	[sflag:s10] =	ssyncset.done $0x0  }
0x83: {  	[sflag:s10] =	ssyncadd.s32 $0xFFFFEC00  }
0x84: {  	_ =	swait.ge [sflag:s10], $0x1400  }
0x85: {  	[sflag:s10] =	ssyncset.done $0x0  }
0x86: {  	[sflag:s10] =	ssyncadd.s32 $0xFFFFEC00  }
0x87: {  	_ =	swait.ge [sflag:s10], $0x1400  }
0x88: {  	[sflag:s10] =	ssyncset.done $0x0  }
0x89: {  	[sflag:s10] =	ssyncadd.s32 $0xFFFFEC00  }
0x8a: {  	_ =	swait.ge [sflag:s10], $0x1400  }
0x8b: {  	[sflag:s10] =	ssyncset.done $0x0  }
0x8c: {  	s11 =	simm.s32 $0x0;
	[sflag:s10] =	ssyncadd.s32 $0xFFFFEC00  }
0x8d: {  	v0 =	vld [tilespmem:s11+$0xCB50]  }
0x8e: {  	v1 =	vld [tilespmem:s11+$0xCB20];
	_ =	sdelay $0x1  }
0x8f: {  	v2 =	vld [tilespmem:s11+$0xCB30]  }
0x90: {  	v3 =	vld [tilespmem:s11+$0xCB40]  }
0x91: {  	[tilespmem:s11+$0x9950] =	vst.add.f32.msk $0xffff, v0  }
0x92: {  	[tilespmem:s11+$0x6720] =	vst.add.f32.msk $0xffff, v1  }
0x93: {  	[tilespmem:s11+$0x9920] =	vst.add.f32.msk $0xffff, v1  }
0x94: {  	[tilespmem:s11+$0x6730] =	vst.add.f32.msk $0xffff, v2  }
0x95: {  	[tilespmem:s11+$0x9930] =	vst.add.f32.msk $0xffff, v2  }
0x96: {  	[tilespmem:s11+$0x6740] =	vst.add.f32.msk $0xffff, v3  }
0x97: {  	s17 =	simm.s32 $0x40;
	s18 =	simm.s32 $0x200;
	[tilespmem:s11+$0x9940] =	vst.add.f32.msk $0xffff, v3  }
.LBB2_5:
0x98: {  	p0 =	sne.s32 s18, $0xC700;
	v1 =	vld [tilespmem:s17+$0xCB50]  }
0x99: {  	v2 =	vld [tilespmem:s17+$0xCB20]  }
0x9a: {  	v3 =	vld [tilespmem:s17+$0xCB30]  }
0x9b: {  	v4 =	vld [tilespmem:s17+$0xCB40]  }
0x9c: {  	[tilespmem:s11+$0x6750] =	vst.add.f32.msk $0xffff, v0;
	s11 =	smov.u32 s17  }
0x9d: {  	[tilespmem:s11+$0x9950] =	vst.add.f32.msk $0xffff, v1;
	v0 =	vmov v1  }
0x9e: {  	[tilespmem:s11+$0x6720] =	vst.add.f32.msk $0xffff, v2  }
.Ltmp1:
0x9f: {  	[tilespmem:s11+$0x9920] =	vst.add.f32.msk $0xffff, v2;
	(pc) =	sbr.rel @p0 .LBB2_5-.Ltmp1, $4  }
0xa0: {  	[tilespmem:s11+$0x6730] =	vst.add.f32.msk $0xffff, v3  }
0xa1: {  	[tilespmem:s11+$0x9930] =	vst.add.f32.msk $0xffff, v3  }
0xa2: {  	[tilespmem:s11+$0x6740] =	vst.add.f32.msk $0xffff, v4  }
0xa3: {  	s17 =	sshra.s32 s18, $0x2;
	s18 =	sadd.s32 $0x100, s18;
	[tilespmem:s11+$0x9940] =	vst.add.f32.msk $0xffff, v4  }
0xa4: {  	v1 =	vld [tilespmem:s17+$0xCB50]  }
0xa5: {  	v2 =	vld [tilespmem:s17+$0xCB20]  }
0xa6: {  	v3 =	vld [tilespmem:s17+$0xCB30]  }
0xa7: {  	v4 =	vld [tilespmem:s17+$0xCB40]  }
0xa8: {  	[tilespmem:s11+$0x6750] =	vst.add.f32.msk $0xffff, v0  }
0xa9: {  	[tilespmem:s17+$0x9950] =	vst.add.f32.msk $0xffff, v1  }
0xaa: {  	[tilespmem:s17+$0x6720] =	vst.add.f32.msk $0xffff, v2  }
0xab: {  	[tilespmem:s17+$0x9920] =	vst.add.f32.msk $0xffff, v2  }
0xac: {  	[tilespmem:s17+$0x6730] =	vst.add.f32.msk $0xffff, v3  }
0xad: {  	[tilespmem:s17+$0x9930] =	vst.add.f32.msk $0xffff, v3  }
0xae: {  	s3 =	sshll.u32 s3, $0x4;
	s12 =	sadd.s32 $0x1, s12;
	[tilespmem:s17+$0x6740] =	vst.add.f32.msk $0xffff, v4  }
0xaf: {  	s3 =	sand.u32 $0x1FFFFF00, s3;
	p0 =	sne.s32 s12, $0x1F;
	[tilespmem:s17+$0x9940] =	vst.add.f32.msk $0xffff, v4  }
.Ltmp2:
0xb0: {  	s3 =	sadd.s32 s7, s3;
	[tilespmem:s17+$0x6750] =	vst.add.f32.msk $0xffff, v1;
	(pc) =	sbr.rel @p0 .LBB2_2-.Ltmp2, $4  }
0xb1: {  	[hbm4b:s3+s8] =	stream.strided.scatter [tilespmem:s25], [sflag:$0x3], $0x6400, s9, s8, $0x38;
	[tilespmem:$0xFD20] =	vst v63  }
0xb2: {  	_ =	swait.ge [sflag:s14], $0x6400  }
0xb3: {  	[sflag:s14] =	ssyncset.done $0x0  }
0xb4: {  	[sflag:s14] =	ssyncadd.s32 $0xFFFF9C00  }
0xb5: {  	s3 =	simm.s32 $0x0;
	s11 =	rddreg [dreg:$0x5]  }
0xb6: {  	[tilespmem:s24], [sflag:$0x3] =	stream.linear.gather [hbm4b:s11+s3], $0x190, $0x38;
	[tilespmem:$0xFD20] =	vst v63  }
0xb7: {  	_ =	swait.ge [sflag:s14], $0x190  }
0xb8: {  	[sflag:s14] =	ssyncset.done $0x0  }
0xb9: {  	[sflag:s14] =	ssyncadd.s32 $0xFFFFFE70  }
0xba: {  	[tilespmem:s25], [sflag:$0x2] =	stream.indirect.gather [hbm4b:s4+s15], $0x40, s24, s15, $0xb8;
	[tilespmem:$0xFD20] =	vst v63  }
0xbb: {  	_ = 	snop  }
0xbc: {  	[tilespmem:s28], [sflag:$0x2] =	stream.indirect.gather [hbm4b:s4+s15], $0x40, s26, s15, $0xb8;
	[tilespmem:$0xFD20] =	vst v63  }
0xbd: {  	_ = 	snop  }
0xbe: {  	[tilespmem:s30], [sflag:$0x2] =	stream.indirect.gather [hbm4b:s4+s15], $0x40, s29, s15, $0xb8;
	[tilespmem:$0xFD20] =	vst v63  }
0xbf: {  	_ = 	snop  }
0xc0: {  	[tilespmem:s0], [sflag:$0x2] =	stream.indirect.gather [hbm4b:s4+s15], $0x40, s31, s15, $0xb8;
	[tilespmem:$0xFD20] =	vst v63  }
0xc1: {  	_ = 	snop  }
0xc2: {  	[tilespmem:s13], [sflag:$0x2] =	stream.indirect.gather [hbm4b:s4+s15], $0x40, s1, s15, $0xb8;
	[tilespmem:$0xFD20] =	vst v63  }
0xc3: {  	_ =	swait.ge [sflag:s6], $0x1400  }
0xc4: {  	[sflag:s6] =	ssyncset.done $0x0  }
0xc5: {  	[sflag:s6] =	ssyncadd.s32 $0xFFFFEC00  }
0xc6: {  	_ =	swait.ge [sflag:s6], $0x1400  }
0xc7: {  	[sflag:s6] =	ssyncset.done $0x0  }
0xc8: {  	[sflag:s6] =	ssyncadd.s32 $0xFFFFEC00  }
0xc9: {  	_ =	swait.ge [sflag:s6], $0x1400  }
0xca: {  	[sflag:s6] =	ssyncset.done $0x0  }
0xcb: {  	[sflag:s6] =	ssyncadd.s32 $0xFFFFEC00  }
0xcc: {  	_ =	swait.ge [sflag:s6], $0x1400  }
0xcd: {  	[sflag:s6] =	ssyncset.done $0x0  }
0xce: {  	[sflag:s6] =	ssyncadd.s32 $0xFFFFEC00  }
0xcf: {  	_ =	swait.ge [sflag:s6], $0x1400  }
0xd0: {  	[sflag:s6] =	ssyncset.done $0x0  }
0xd1: {  	s3 =	simm.s32 $0x0;
	[sflag:s6] =	ssyncadd.s32 $0xFFFFEC00  }
0xd2: {  	v0 =	vld [tilespmem:s3+$0xCB50]  }
0xd3: {  	v1 =	vld [tilespmem:s3+$0xCB20];
	_ =	sdelay $0x1  }
0xd4: {  	v2 =	vld [tilespmem:s3+$0xCB30]  }
0xd5: {  	v3 =	vld [tilespmem:s3+$0xCB40]  }
0xd6: {  	[tilespmem:s3+$0x3550] =	vst.add.f32.msk $0xffff, v0  }
0xd7: {  	[tilespmem:s3+$0x320] =	vst.add.f32.msk $0xffff, v1  }
0xd8: {  	[tilespmem:s3+$0x3520] =	vst.add.f32.msk $0xffff, v1  }
0xd9: {  	[tilespmem:s3+$0x330] =	vst.add.f32.msk $0xffff, v2  }
0xda: {  	[tilespmem:s3+$0x3530] =	vst.add.f32.msk $0xffff, v2  }
0xdb: {  	[tilespmem:s3+$0x340] =	vst.add.f32.msk $0xffff, v3  }
0xdc: {  	s12 =	simm.s32 $0x40;
	s11 =	simm.s32 $0x200;
	[tilespmem:s3+$0x3540] =	vst.add.f32.msk $0xffff, v3  }
.LBB2_8:
0xdd: {  	p0 =	sne.s32 s11, $0xC700;
	v1 =	vld [tilespmem:s12+$0xCB50]  }
0xde: {  	v2 =	vld [tilespmem:s12+$0xCB20]  }
0xdf: {  	v3 =	vld [tilespmem:s12+$0xCB30]  }
0xe0: {  	v4 =	vld [tilespmem:s12+$0xCB40]  }
0xe1: {  	[tilespmem:s3+$0x350] =	vst.add.f32.msk $0xffff, v0;
	s3 =	smov.u32 s12  }
0xe2: {  	[tilespmem:s3+$0x3550] =	vst.add.f32.msk $0xffff, v1;
	v0 =	vmov v1  }
0xe3: {  	[tilespmem:s3+$0x320] =	vst.add.f32.msk $0xffff, v2  }
.Ltmp3:
0xe4: {  	[tilespmem:s3+$0x3520] =	vst.add.f32.msk $0xffff, v2;
	(pc) =	sbr.rel @p0 .LBB2_8-.Ltmp3, $4  }
0xe5: {  	[tilespmem:s3+$0x330] =	vst.add.f32.msk $0xffff, v3  }
0xe6: {  	[tilespmem:s3+$0x3530] =	vst.add.f32.msk $0xffff, v3  }
0xe7: {  	[tilespmem:s3+$0x340] =	vst.add.f32.msk $0xffff, v4  }
0xe8: {  	s12 =	sshra.s32 s11, $0x2;
	s11 =	sadd.s32 $0x100, s11;
	[tilespmem:s3+$0x3540] =	vst.add.f32.msk $0xffff, v4  }
0xe9: {  	v1 =	vld [tilespmem:s12+$0xCB50]  }
0xea: {  	v2 =	vld [tilespmem:s12+$0xCB20]  }
0xeb: {  	v3 =	vld [tilespmem:s12+$0xCB30]  }
0xec: {  	v4 =	vld [tilespmem:s12+$0xCB40]  }
0xed: {  	[tilespmem:s3+$0x350] =	vst.add.f32.msk $0xffff, v0  }
0xee: {  	[tilespmem:s12+$0x3550] =	vst.add.f32.msk $0xffff, v1  }
0xef: {  	[tilespmem:s12+$0x320] =	vst.add.f32.msk $0xffff, v2  }
0xf0: {  	[tilespmem:s12+$0x3520] =	vst.add.f32.msk $0xffff, v2  }
0xf1: {  	[tilespmem:s12+$0x330] =	vst.add.f32.msk $0xffff, v3  }
0xf2: {  	[tilespmem:s12+$0x3530] =	vst.add.f32.msk $0xffff, v3  }
0xf3: {  	[tilespmem:s12+$0x340] =	vst.add.f32.msk $0xffff, v4  }
0xf4: {  	[tilespmem:s12+$0x3540] =	vst.add.f32.msk $0xffff, v4  }
0xf5: {  	s19 =	rddreg [dreg:$0x6];
	[tilespmem:s12+$0x350] =	vst.add.f32.msk $0xffff, v1  }
0xf6: {  	[hbm4b:s19+s8] =	stream.strided.scatter [tilespmem:s16], [sflag:$0x3], $0x6400, s9, s8, $0x38;
	[tilespmem:$0xFD20] =	vst v63  }
0xf7: {  	_ =	swait.ge [sflag:s14], $0x6400  }
0xf8: {  	[sflag:s14] =	ssyncset.done $0x0  }
0xf9: {  	[sflag:s14] =	ssyncadd.s32 $0xFFFF9C00  }
0xfa: {  	_ =	swait.ge [sflag:s10], $0x1400  }
0xfb: {  	[sflag:s10] =	ssyncset.done $0x0  }
0xfc: {  	[sflag:s10] =	ssyncadd.s32 $0xFFFFEC00  }
0xfd: {  	_ =	swait.ge [sflag:s10], $0x1400  }
0xfe: {  	[sflag:s10] =	ssyncset.done $0x0  }
0xff: {  	[sflag:s10] =	ssyncadd.s32 $0xFFFFEC00  }
0x100: {  	_ =	swait.ge [sflag:s10], $0x1400  }
0x101: {  	[sflag:s10] =	ssyncset.done $0x0  }
0x102: {  	[sflag:s10] =	ssyncadd.s32 $0xFFFFEC00  }
0x103: {  	_ =	swait.ge [sflag:s10], $0x1400  }
0x104: {  	[sflag:s10] =	ssyncset.done $0x0  }
0x105: {  	[sflag:s10] =	ssyncadd.s32 $0xFFFFEC00  }
0x106: {  	_ =	swait.ge [sflag:s10], $0x1400  }
0x107: {  	[sflag:s10] =	ssyncset.done $0x0  }
0x108: {  	s3 =	simm.s32 $0x0;
	[sflag:s10] =	ssyncadd.s32 $0xFFFFEC00  }
0x109: {  	v0 =	vld [tilespmem:s3+$0xCB50]  }
0x10a: {  	v1 =	vld [tilespmem:s3+$0xCB20];
	_ =	sdelay $0x1  }
0x10b: {  	v2 =	vld [tilespmem:s3+$0xCB30]  }
0x10c: {  	v3 =	vld [tilespmem:s3+$0xCB40]  }
0x10d: {  	[tilespmem:s3+$0x9950] =	vst.add.f32.msk $0xffff, v0  }
0x10e: {  	[tilespmem:s3+$0x6720] =	vst.add.f32.msk $0xffff, v1  }
0x10f: {  	[tilespmem:s3+$0x9920] =	vst.add.f32.msk $0xffff, v1  }
0x110: {  	[tilespmem:s3+$0x6730] =	vst.add.f32.msk $0xffff, v2  }
0x111: {  	[tilespmem:s3+$0x9930] =	vst.add.f32.msk $0xffff, v2  }
0x112: {  	[tilespmem:s3+$0x6740] =	vst.add.f32.msk $0xffff, v3  }
0x113: {  	s11 =	simm.s32 $0x200;
	s12 =	simm.s32 $0x40;
	[tilespmem:s3+$0x9940] =	vst.add.f32.msk $0xffff, v3  }
.LBB2_10:
0x114: {  	p0 =	sne.s32 s11, $0xC700;
	v1 =	vld [tilespmem:s12+$0xCB50]  }
0x115: {  	v2 =	vld [tilespmem:s12+$0xCB20]  }
0x116: {  	v3 =	vld [tilespmem:s12+$0xCB30]  }
0x117: {  	v4 =	vld [tilespmem:s12+$0xCB40]  }
0x118: {  	[tilespmem:s3+$0x6750] =	vst.add.f32.msk $0xffff, v0;
	s3 =	smov.u32 s12  }
0x119: {  	[tilespmem:s3+$0x9950] =	vst.add.f32.msk $0xffff, v1;
	v0 =	vmov v1  }
0x11a: {  	[tilespmem:s3+$0x6720] =	vst.add.f32.msk $0xffff, v2  }
.Ltmp4:
0x11b: {  	[tilespmem:s3+$0x9920] =	vst.add.f32.msk $0xffff, v2;
	(pc) =	sbr.rel @p0 .LBB2_10-.Ltmp4, $4  }
0x11c: {  	[tilespmem:s3+$0x6730] =	vst.add.f32.msk $0xffff, v3  }
0x11d: {  	[tilespmem:s3+$0x9930] =	vst.add.f32.msk $0xffff, v3  }
0x11e: {  	[tilespmem:s3+$0x6740] =	vst.add.f32.msk $0xffff, v4  }
0x11f: {  	s12 =	sshra.s32 s11, $0x2;
	s11 =	sadd.s32 $0x100, s11;
	[tilespmem:s3+$0x9940] =	vst.add.f32.msk $0xffff, v4  }
0x120: {  	v1 =	vld [tilespmem:s12+$0xCB50]  }
0x121: {  	v2 =	vld [tilespmem:s12+$0xCB20]  }
0x122: {  	v3 =	vld [tilespmem:s12+$0xCB30]  }
0x123: {  	v4 =	vld [tilespmem:s12+$0xCB40]  }
0x124: {  	[tilespmem:s3+$0x6750] =	vst.add.f32.msk $0xffff, v0  }
0x125: {  	[tilespmem:s12+$0x9950] =	vst.add.f32.msk $0xffff, v1  }
0x126: {  	[tilespmem:s12+$0x6720] =	vst.add.f32.msk $0xffff, v2  }
0x127: {  	[tilespmem:s12+$0x9920] =	vst.add.f32.msk $0xffff, v2  }
0x128: {  	[tilespmem:s12+$0x6730] =	vst.add.f32.msk $0xffff, v3  }
0x129: {  	[tilespmem:s12+$0x9930] =	vst.add.f32.msk $0xffff, v3  }
0x12a: {  	[tilespmem:s12+$0x6740] =	vst.add.f32.msk $0xffff, v4  }
0x12b: {  	[tilespmem:s12+$0x9940] =	vst.add.f32.msk $0xffff, v4  }
0x12c: {  	s18 =	rddreg [dreg:$0x7];
	[tilespmem:s12+$0x6750] =	vst.add.f32.msk $0xffff, v1  }
0x12d: {  	[hbm4b:s18+s8] =	stream.strided.scatter [tilespmem:s25], [sflag:$0x3], $0x6400, s9, s8, $0x38;
	[tilespmem:$0xFD20] =	vst v63  }
0x12e: {  	_ =	swait.ge [sflag:s14], $0x6400  }
0x12f: {  	s11 =	rddreg [dreg:$0x9]  }
0x130: {  	s19 =	rddreg [dreg:$0x8];
	s11 =	sadd.s32 $0x1, s11  }
0x131: {  	p0 =	sne.s32 s11, s19  }
.Ltmp5:
0x132: {  	_ = 	snop;
	(pc) =	sbr.rel @p0 .LBB2_1-.Ltmp5, $3  }
0x133: {  	_ =	sdelay $0x1  }
0x134: {  	[sflag:s14] =	ssyncset.done $0x0  }
0x135: {  	[sflag:s14] =	ssyncadd.s32 $0xFFFF9C00  }
0x136: {  	_ =	sfence.sel $0x180000  }
0x137: {  	[bflag:$0x0] =	sbarrier.arrive $0xFFFF  }
0x138: {  	_ =	strace $0x90000047  }
0x139: {  	s0 =	stileid.u32;
	[bflag:$0x2] =	sbarrier.arrive $0xFFFF  }
0x13a: {  	p0 =	sne.s32 s0, $0x0;
	s0 =	rddreg [dreg:$0x2]  }
0x13b: {  	s0 =	sadd.s32 @!p0 $0x100000, s0  }
0x13c: {  	[sflag:s0] =	ssyncadd.tile.s32 @!p0 $0x1;
	_ =	shalt  }
.Lfunc_end2:
_tile_overlayer_lowered:
.L_overlay_start_2:
0x13d: {  	(tag) =	ssettag $0x2  }
0x13e: {  	s0 =	rddreg [dreg:$0x0];
	s2 =	stileid.u32  }
0x13f: {  	s1 =	rddreg [dreg:$0x1];
	p0 =	sne.s32 s2, $0x0  }
0x140: {  	s3 =	rddreg [dreg:$0x2];
	[bflag:$0x3] =	sbarrier.arrive $0xFFFF;
	s2 =	simm.s32 @!p0 $0x1C03  }
0x141: {  	[timem:s3], [sflag:s2] =	dma.local @!p0 [hbm:s0], s1  }
0x142: {  	s0 =	simm.s32 @!p0 $0x3  }
0x143: {  	_ =	swait.ge @!p0 [sflag:s0], s1  }
0x144: {  	s1 =	ssub.s32 @!p0 $0x0, s1;
	[sflag:s0] =	ssyncset.done @!p0 $0x0  }
0x145: {  	[sflag:s0] =	ssyncadd.s32 @!p0 s1  }
0x146: {  	[bflag:$0x3] =	sbarrier.arrive $0xFFFF  }
0x147: {  	_ =	shalt  }

// kernel: sparse-core-data-format-call.cloned.1.call-start
scs
called_computation_lowered:
.L_overlay_start_0:
0x0: {  	s2 =	sld [smem:$0x3FD9]  }
0x1: {  	s3 =	sld [smem:$0x3FFE];
	_ =	sdelay $0x1  }
0x2: {  	s1 =	srdreg.scid  }
0x3: {  	s0 =	sand.u32 $0x1, s1  }
0x4: {  	s18 =	sshll.u32 s0, $0xA;
	s2 =	sadd.s32 s3, s2  }
0x5: {  	s2 =	sadd.s32 s2, s18  }
0x6: {  	[smem:$0x3FC6] =	sst s2  }
0x7: {  	_ = 	snop  }
0x8: {  	s2 =	sld [smem:$0x3FD0];
	(tm) =	ssettm $0x1  }
0x9: {  	s19 =	sld [smem:$0x3FFB];
	_ =	sdelay $0x3  }
0xa: {  	_ =	strace s19  }
0xb: {  	s3 =	sld [smem:$0x3FFC];
	_ =	sdelay $0x3  }
0xc: {  	_ =	strace s3  }
0xd: {  	s3 =	sld [smem:$0x3FFD];
	_ =	sdelay $0x3  }
0xe: {  	_ =	strace s3  }
0xf: {  	_ =	strace $0x8FFFFFFF  }
0x10: {  	s20 =	sld [smem:$0x3FDB];
	_ =	sdelay $0x1  }
0x11: {  	s4 =	simm.s32 $_scs_section_size  }
0x12: {  	s5 =	simm.s32 $_size__tile_overlayer_lowered;
	s6 =	simm.s32 $_tile_overlayer_lowered  }
0x13: {  	s23 =	simm.s32 $0x1BFF;
	s22 =	sshll.u32 s6, $0x1;
	s3 =	sadd.s32 s4, s20  }
0x14: {  	s7 =	simm.s32 $0x0;
	s21 =	sshll.u32 s5, $0x1;
	s5 =	sadd.s32 s22, s3  }
0x15: {  	[timem:s7], [sflag:s23] =	dma.local [hbm:s5], s21  }
0x16: {  	_ =	swait.ge [sflag:s23], s21  }
0x17: {  	s4 =	ssub.s32 $0x0, s21;
	[sflag:s23] =	ssyncset.done $0x0  }
0x18: {  	[sflag:s23] =	ssyncadd.s32 s4;
	_ =	sdelay $0x1  }
0x19: {  	s24 =	simm.s32 $0x1B8B  }
0x1a: {  	_ =	swait.ge [sflag:s24], $0x1  }
0x1b: {  	[sflag:s24] =	ssyncset.done $0x0  }
0x1c: {  	s26 =	simm.s32 $0x1B8E;
	s25 =	sld [smem:$0x3FFE];
	[sflag:s24] =	ssyncadd.s32 $0xFFFFFFFF  }
0x1d: {  	s27 =	simm.s32 $execute0_lowered;
	[smem:$0x3FD2] =	sst s26  }
0x1e: {  	s5 =	sshll.u32 s27, $0x1;
	_ =	strace $0x80000049;
	[dreg:$0x1] =	wrdreg $0xFFFFFFFF  }
0x1f: {  	s28 =	simm.s32 $_size_execute0_lowered;
	s3 =	sadd.s32 s3, s5;
	[dreg:$0x0] =	wrdreg $0x0  }
0x20: {  	s5 =	sshll.u32 s28, $0x1;
	[dreg:$0x2] =	wrdreg s3  }
0x21: {  	[dreg:$0x3] =	wrdreg s5  }
0x22: {  	[dreg:$0x4] =	wrdreg $0xC0  }
0x23: {  	_ =	task [dreg:s7], $0x5FFFF  }
0x24: {  	[dreg:$0x1] =	wrdreg $0xFFFFFFFF  }
0x25: {  	[dreg:$0x0] =	wrdreg $0x60  }
0x26: {  	[dreg:$0x2] =	wrdreg s25  }
0x27: {  	[dreg:$0x3] =	wrdreg s2  }
0x28: {  	[dreg:$0x4] =	wrdreg $0x9  }
0x29: {  	_ =	task.clear_ibuf [dreg:s7], $0x5FFFF;
	_ =	strace $0x90000049  }
0x2a: {  	s29 =	simm.s32 $0x9;
	_ =	strace $0x8000004B  }
0x2b: {  	_ =	swait.ge [sflag:s29], $0x1  }
0x2c: {  	[sflag:s29] =	ssyncadd.s32 $0xFFFFFFFF  }
0x2d: {  	_ =	strace $0x9000004B  }
0x2e: {  	_ =	sfence  }
0x2f: {  	s30 =	sld [smem:$0x0];
	_ =	sdelay $0x2  }
0x30: {  	s31 =	sshll.u32 s1, $0xD;
	s1 =	sshrl.u32 s1, $0x2  }
0x31: {  	s3 =	sand.u32 $0x4000, s31;
	s1 =	sadd.s32 s1, s30  }
0x32: {  	s0 =	sor.u32 s3, s0;
	s1 =	sshll.u32 s1, $0x11  }
0x33: {  	s0 =	sor.u32 s1, s0  }
0x34: {  	s0 =	sadd.s32 $0x8F2B, s0  }
0x35: {  	[sflag:s0] =	ssyncadd.remote.s32 $0x1  }
0x36: {  	_ =	sfence.sel $0xFFFF  }
0x37: {  	[dreg:$0x0] =	wrdreg $0xFFFFFFFF;
	(pc) =	sbr.abs _section_cstart, $3  }
0x38: {  	[dreg:$0x1] =	wrdreg $0xFFFFFFFF  }
0x39: {  	_ =	task.clear_ibuf [dreg:s7], $0x2FFFF;
	_ =	strace $0x9FFFFFFF  }
0x3a: {  	(tm) =	ssettm $0x7FFFFFFF  }
0x3b: {  	_ =	shalt  }
tec
execute0_lowered:
.L_overlay_start_1:
0x0: {  	(tag) =	ssettag $0x1  }
0x1: {  	s0 =	srdreg.scid  }
0x2: {  	s1 =	sshll.u32 s0, $0x4  }
0x3: {  	s0 =	stileid.u32;
	s1 =	sand.u32 $0x10, s1  }
0x4: {  	s1 =	sor.u32 s0, s1  }
0x5: {  	s6 =	rddreg [dreg:$0x0];
	s4 =	simm.s32 $0x1;
	s2 =	sshll.u32 s1, $0x7  }
0x6: {  	s7 =	simm.s32 $0x2;
	s12 =	simm.s32 $0x0;
	s1 =	ssub.s32 $0x1000, s2  }
0x7: {  	s8 =	simm.s32 $0x8000;
	s13 =	simm.s32 $0x0;
	s3 =	sand.u32 $0xF80, s1  }
0x8: {  	s9 =	simm.s32 $0x0;
	s5 =	sshrl.u32 s1, $0xC;
	p0 =	sne.s32 s3, $0x0  }
.Ltmp0:
0x9: {  	s1 =	rddreg [dreg:$0x2];
	s4 =	simm.s32 @!p0 $0x0;
	(pc) =	sbr.rel .LBB1_1-.Ltmp0, $4  }
0xa: {  	s11 =	simm.s32 $0x0;
	s3 =	rddreg [dreg:$0x1];
	s5 =	sadd.s32 s4, s5  }
0xb: {  	_ =	strace $0x8000004A;
	s4 =	simm.s32 $0x1;
	s5 =	smul.u32 $0xC8, s5  }
0xc: {  	s6 =	sadd.s32 $0x1400, s6;
	s10 =	smov.u32 s2;
	[sflag:s4] =	ssyncpa.u1 $0x0  }
0xd: {  	p0 =	por $0x0, $0x0;
	[sflag:s7] =	ssyncpa.u1 $0x0;
	s7 =	sor.u32 $0x1, s5  }
.LBB1_4:
0xe: {  	s16 =	sshll.u32 s13, $0x3;
	s17 =	sand.u32 $0x78, s13  }
0xf: {  	s30 =	sand.u32 $0x7E00, s13;
	s12 =	sshll.u32 s12, $0xF;
	s16 =	sand.u32 $0xC00, s16  }
0x10: {  	[tilespmem:s15+$0x810 ss:$0x81] =	vst.msk $0xffff, v2;
	s31 =	sand.u32 $0x7, s13;
	s16 =	sor.u32 s17, s16;
	s17 =	sadd.s32 s3, s30  }
0x11: {  	[tilespmem:s15+$0x1020 ss:$0x81] =	vst.msk $0xffff, v0;
	s13 =	sshll.u32 s31, $0x12;
	s12 =	sadd.s32 s12, s17;
	s16 =	sshrl.u32 s16, $0x3  }
0x12: {  	[tilespmem:s15+$0x0 ss:$0x81] =	vst.msk $0xffff, v1;
	s13 =	sor.u32 $0x400, s13;
	s12 =	sadd.s32 s16, s12  }
0x13: {  	[hbm4b:s12+s13] =	stream.strided.scatter [tilespmem:s14], [sflag:$0x2], $0x2000, s8, s13, $0x20;
	[tilespmem:$0x8080] =	vst v63  }
.LBB1_5:
0x14: {  	s14 =	sadd.s32 $0x1, s9  }
0x15: {  	s12 =	sadd.s32 $0x1000, s10;
	s16 =	smov.u32 s10;
	p2 =	sgt.s32 s14, $0xC7  }
0x16: {  	s16 =	smov.u32 @p2 s12  }
0x17: {  	s14 =	simm.s32 @p2 $0x0;
	p2 =	sgt.s32 s16, $0xFFF  }
0x18: {  	s16 =	smov.u32 @p2 s2;
	p2 =	sne.s32 s11, s7  }
.Ltmp1:
0x19: {  	p1 =	slt.u32 s11, $0x2;
	(pc) =	sbr.rel @!p2 .LBB1_6-.Ltmp1, $4  }
0x1a: {  	s15 =	simm.s32 @!p1 $0x2  }
0x1b: {  	s13 =	smov.u32 s10;
	p0 =	por !p0, !p0;
	_ =	swait.ge @!p1 [sflag:s15], $0x2000  }
0x1c: {  	s12 =	smov.u32 s9;
	[sflag:s15] =	ssyncset.done @!p1 $0x0;
	s9 =	smov.u32 s14  }
0x1d: {  	s11 =	sadd.s32 $0x1, s11;
	[sflag:s15] =	ssyncadd.s32 @!p1 $0xFFFFE000;
	s10 =	smov.u32 s16  }
.LBB1_1:
0x1e: {  	p1 =	sge.u32 s11, s5  }
0x1f: {  	s14 =	sand.u32 @!p1 $0x1FFFFFF, s9  }
0x20: {  	s15 =	smulhi.u32 @!p1 $0x147AE15, s14;
	_ =	sdelay $0x1  }
0x21: {  	s15 =	smul.u32 @!p1 $0xC8, s15  }
0x22: {  	s16 =	sxor.u32 @!p1 $0xFFFFFFFF, s11;
	s17 =	smul.u32 @!p1 $0xC80, s10  }
0x23: {  	s31 =	sadd.s32 $0xFFFFFFFF, s11;
	s16 =	sshll.u32 @!p1 s16, $0xD;
	s14 =	ssub.s32 @!p1 s14, s15  }
0x24: {  	s15 =	sand.u32 @!p1 $0x2000, s16;
	s16 =	sadd.s32 @!p1 s6, s17;
	s14 =	sshll.u32 @!p1 s14, $0x4  }
0x25: {  	s17 =	simm.s32 @!p1 $0x6400;
	s14 =	sadd.s32 @!p1 s14, s16;
	s16 =	simm.s32 @!p1 $0x40  }
0x26: {  	[tilespmem:s15], [sflag:$0x1] =	stream.strided.gather @!p1 [hbm4b:s14+s16], $0x2000, s17, s16, $0x38;
	[tilespmem:$0x8080] =	vst v63  }
0x27: {  	p1 =	sge.u32 s31, s5  }
.Ltmp2:
0x28: {  	_ = 	snop;
	(pc) =	sbr.rel @p1 .LBB1_5-.Ltmp2, $1  }
0x29: {  	_ =	sdelay $0x3  }
0x2a: {  	s14 =	simm.s32 $0x1  }
0x2b: {  	_ =	swait.ge [sflag:s4], $0x2000;
	s14 =	simm.s32 @!p0 $0x0  }
0x2c: {  	[sflag:s4] =	ssyncset.done $0x0;
	s15 =	sshll.u32 s14, $0xD  }
0x2d: {  	[sflag:s4] =	ssyncadd.s32 $0xFFFFE000;
	s18 =	sor.u32 $0x20, s15  }
0x2e: {  	s14 =	smul.u32 $0x8100, s14;
	v3 =	vld [tilespmem:s18+$0x10]  }
0x2f: {  	s30 =	sand.u32 $0x1, s11;
	v2 =	vld [tilespmem:s18+$0xFFFFFFF0]  }
0x30: {  	s15 =	smul.u32 $0x8100, s30;
	s14 =	sshrl.u32 s14, $0x2;
	v0 =	vld [tilespmem:s18+$0x0]  }
0x31: {  	v1 =	vld [tilespmem:s18+$0xFFFFFFE0];
	s16 =	sor.u32 $0x4000, s14  }
0x32: {  	s31 =	sshrl.u32 s15, $0x2;
	s15 =	sadd.s32 $0x0, s16  }
0x33: {  	s17 =	simm.s32 $0x4;
	s18 =	sadd.s32 $0x40, s18;
	s14 =	sor.u32 $0x4000, s31;
	[tilespmem:s15+$0x1830 ss:$0x81] =	vst.msk $0xffff, v3  }
.LBB1_3:
0x34: {  	v3 =	vld [tilespmem:s18+$0x10];
	p1 =	sne.s32 s17, $0x1FC;
	[tilespmem:s15+$0x810 ss:$0x81] =	vst.msk $0xffff, v2;
	s19 =	smov.u32 s17;
	s17 =	sadd.s32 $0x4, s17  }
.Ltmp3:
0x35: {  	v2 =	vld [tilespmem:s18+$0xFFFFFFF0];
	[tilespmem:s15+$0x1020 ss:$0x81] =	vst.msk $0xffff, v0;
	(pc) =	sbr.rel @p1 .LBB1_3-.Ltmp3, $4  }
0x36: {  	v0 =	vld [tilespmem:s18+$0x0];
	[tilespmem:s15+$0x0 ss:$0x81] =	vst.msk $0xffff, v1  }
0x37: {  	s15 =	sshra.s32 s19, $0x2;
	v1 =	vld [tilespmem:s18+$0xFFFFFFE0]  }
0x38: {  	s15 =	sadd.s32 s15, s16  }
0x39: {  	s18 =	sadd.s32 $0x40, s18;
	[tilespmem:s15+$0x1830 ss:$0x81] =	vst.msk $0xffff, v3  }
.Ltmp4:
0x3a: {  	_ = 	snop;
	(pc) =	sbr.rel .LBB1_4-.Ltmp4, $1  }
0x3b: {  	_ =	sdelay $0x3  }
.LBB1_6:
0x3c: {  	_ =	sfence.sel $0x180000  }
0x3d: {  	s2 =	simm.s32 $0x1;
	[bflag:$0x0] =	sbarrier.arrive $0xFFFF  }
0x3e: {  	s31 =	simm.s32 $0x2;
	[sflag:s2] =	ssyncpa.u1 $0x1  }
0x3f: {  	[sflag:s31] =	ssyncpa.u1 $0x1  }
0x40: {  	p0 =	sne.s32 s0, $0x0;
	_ =	strace $0x9000004A  }
0x41: {  	s0 =	sadd.s32 @!p0 $0x100000, s1;
	[bflag:$0x2] =	sbarrier.arrive $0xFFFF  }
0x42: {  	[sflag:s0] =	ssyncadd.tile.s32 @!p0 $0x1;
	_ =	shalt  }
.Lfunc_end1:
_tile_overlayer_lowered:
.L_overlay_start_2:
0x43: {  	(tag) =	ssettag $0x2  }
0x44: {  	s0 =	rddreg [dreg:$0x0];
	s2 =	stileid.u32  }
0x45: {  	s1 =	rddreg [dreg:$0x1];
	p0 =	sne.s32 s2, $0x0  }
0x46: {  	s3 =	rddreg [dreg:$0x2];
	[bflag:$0x3] =	sbarrier.arrive $0xFFFF;
	s2 =	simm.s32 @!p0 $0x1C01  }
0x47: {  	[timem:s3], [sflag:s2] =	dma.local @!p0 [hbm:s0], s1  }
0x48: {  	s0 =	simm.s32 @!p0 $0x1  }
0x49: {  	_ =	swait.ge @!p0 [sflag:s0], s1  }
0x4a: {  	s1 =	ssub.s32 @!p0 $0x0, s1;
	[sflag:s0] =	ssyncset.done @!p0 $0x0  }
0x4b: {  	[sflag:s0] =	ssyncadd.s32 @!p0 s1  }
0x4c: {  	[bflag:$0x3] =	sbarrier.arrive $0xFFFF  }
0x4d: {  	_ =	shalt  }

</sc_bundles>
